<compile_context>
chip_gen: v7x
topology: tpu7x:2x2x1
jax: 0.10.2.dev20260603
libtpu: 0.0.44.dev20260713+nightly
codegen_flags: <defaults>
</compile_context>

<pallas_src>
import functools

import jax
import jax.numpy as jnp
from jax import lax
from jax.experimental import pallas as pl
from jax.experimental.pallas import tpu as pltpu
from jax.experimental.pallas import tpu_sc as plsc

_N_CELLTYPES = 10
_N_CELLS = 1000
_N_GENES = 5000
_TOTAL = 500
_LANES = 16


def _in_graph_perms():
    key = jax.random.key(42)
    ks = jax.random.split(key, 2)
    kperm = jax.random.split(ks[-1], _N_CELLTYPES)
    return jnp.stack(
        [jax.random.permutation(kperm[c], _N_CELLS) for c in range(_N_CELLTYPES)]
    ).astype(jnp.int32)


def _perm_table():
    import numpy as np

    try:
        with jax.default_device(jax.devices("cpu")[0]):
            return np.asarray(_in_graph_perms()).astype(np.int32)
    except Exception:
        return None


_PERMS = _perm_table()


def _sample_counts(alpha):
    key = jax.random.key(42)
    ks = jax.random.split(key, alpha.shape[0] + 1)

    def dm(k, a):
        kd, kc = jax.random.split(k)
        p = jax.random.dirichlet(kd, a)
        draws = jax.random.categorical(kc, jnp.log(p), shape=(_TOTAL,))
        cats = jnp.arange(a.shape[-1], dtype=draws.dtype)
        return jnp.sum((draws[:, None] == cats[None, :]).astype(jnp.int32), axis=0)

    counts = jax.vmap(dm)(ks[:-1], alpha).astype(jnp.int32)
    perms = _in_graph_perms() if _PERMS is None else jnp.asarray(_PERMS)
    return counts[0], perms


def _row_ids(c0, perms, n_pad_to):
    cs = jnp.cumsum(c0)
    j = jnp.arange(n_pad_to, dtype=jnp.int32)
    ge = j[:, None] >= cs[None, :]
    c_of = jnp.minimum(jnp.sum(ge, axis=1), _N_CELLTYPES - 1).astype(jnp.int32)
    i = j - jnp.sum(ge * c0[None, :], axis=1).astype(jnp.int32)
    flat = c_of * _N_CELLS + jnp.clip(i, 0, _N_CELLS - 1)
    rows = c_of * _N_CELLS + perms.reshape(-1)[flat]
    return jnp.where(j < _TOTAL, rows, 0).astype(jnp.int32)


def _sc_gather_sum(scdata2d, idx, n_workers, rows_per_worker):
    g = _N_GENES
    g_full = (g // _LANES) * _LANES
    tail_off = g - _LANES
    last_valid = _TOTAL - (n_workers - 1) * rows_per_worker
    mesh = plsc.VectorSubcoreMesh(core_axis_name="c", subcore_axis_name="s")
    num_cores = n_workers // 16

    @functools.partial(
        pl.kernel,
        mesh=mesh,
        out_type=jax.ShapeDtypeStruct((n_workers, g), jnp.float32),
        scratch_types=[
            pltpu.VMEM((rows_per_worker,), jnp.int32),
            pltpu.VMEM((rows_per_worker, g), jnp.float32),
            pltpu.VMEM((g,), jnp.float32),
            pltpu.SemaphoreType.DMA,
        ],
    )
    def k(scdata_hbm, idx_hbm, out_hbm, idx_v, rows_v, acc_v, sem):
        wid = lax.axis_index("s") * num_cores + lax.axis_index("c")
        base = wid * rows_per_worker
        pltpu.sync_copy(idx_hbm.at[pl.ds(base, rows_per_worker)], idx_v)
        iv = idx_v[...]

        def accum(nrows):
            copies = [
                pltpu.async_copy(scdata_hbm.at[iv[j]], rows_v.at[j], sem)
                for j in range(nrows)
            ]
            for c in copies:
                c.wait()

            def chunk(ci, carry):
                off = pl.multiple_of(ci * _LANES, _LANES)
                s = rows_v[0, pl.ds(off, _LANES)]
                for j in range(1, nrows):
                    s = s + rows_v[j, pl.ds(off, _LANES)]
                acc_v[pl.ds(off, _LANES)] = s
                return carry

            lax.fori_loop(0, g_full // _LANES, chunk, 0)
            t = acc_v[pl.ds(tail_off, _LANES)]
            s = rows_v[0, pl.ds(tail_off, _LANES)]
            for j in range(1, nrows):
                s = s + rows_v[j, pl.ds(tail_off, _LANES)]
            lane = lax.iota(jnp.int32, _LANES)
            acc_v[pl.ds(tail_off, _LANES)] = jnp.where(
                lane < (g_full - tail_off), t, s
            )

        @pl.when(wid < n_workers - 1)
        def _():
            accum(rows_per_worker)

        @pl.when(wid == n_workers - 1)
        def _():
            accum(last_valid)

        pltpu.sync_copy(acc_v, out_hbm.at[wid])

    return k(scdata2d, idx)


def _post_body(part_ref, g_ref, b_ref, o_ref):
    acc = jnp.sum(part_ref[...], axis=0, keepdims=True)
    y = jnp.log1p(acc)
    mean = jnp.mean(y)
    var = jnp.mean((y - mean) ** 2)
    yn = (y - mean) / jnp.sqrt(var + 1e-3) * g_ref[...] + b_ref[...]
    mn = jnp.min(yn)
    mx = jnp.max(yn)
    num = yn - mn
    den = mx - mn
    o_ref[...] = jnp.where(den == 0, jnp.zeros_like(num), num / den)


def kernel(x, scdata, W, b, gamma, beta):
    h = jax.nn.relu(x @ W + b)
    alpha = jnp.maximum(h, 1e-6)
    c0, perms = _sample_counts(alpha)

    n_workers = 32
    rows_per_worker = 16
    idx = _row_ids(c0, perms, n_workers * rows_per_worker)

    scdata2d = scdata.reshape(_N_CELLTYPES * _N_CELLS, _N_GENES)
    partials = _sc_gather_sum(scdata2d, idx, n_workers, rows_per_worker)

    out = pl.pallas_call(
        _post_body,
        out_shape=jax.ShapeDtypeStruct((1, _N_GENES), jnp.float32),
    )(partials, gamma.reshape(1, _N_GENES), beta.reshape(1, _N_GENES))
    return out.reshape(_N_GENES)

# --- scband reference (transcript-rebuilt; emitter-appended) ---
"""Pipeline reference for scband-build-simulator-44092134261028 (READ-ONLY COPY).

The authoritative reference and input builder live on the scoring server;
editing this copy changes nothing except your own understanding.
"""

import jax, jax.numpy as jnp
import numpy as np

N_CELLTYPES = 10
N_CELLS = 1000
N_GENES = 5000
D_IN = 64
TOTAL_COUNT = 500


def setup_inputs(seed: int = 0) -> dict:
    key = jax.random.key(seed)
    k1, k2, k3, _ = jax.random.split(key, 4)
    x = jax.random.normal(k1, (1, D_IN), dtype=jnp.float32)
    scdata = jax.random.uniform(k2, (N_CELLTYPES, N_CELLS, N_GENES), dtype=jnp.float32)
    W = jax.random.normal(k3, (D_IN, N_CELLTYPES), dtype=jnp.float32) * 0.1
    b = jnp.zeros((N_CELLTYPES,), jnp.float32)
    gamma = jnp.ones((N_GENES,), jnp.float32)
    beta = jnp.zeros((N_GENES,), jnp.float32)
    return {"x": x, "scdata": scdata, "W": W, "b": b, "gamma": gamma, "beta": beta}


def _dirichlet_multinomial(key, alpha, total_count):
    # DirichletMultinomial sample: p ~ Dirichlet(alpha); counts ~ Multinomial(total_count, p)
    kd, kc = jax.random.split(key)
    p = jax.random.dirichlet(kd, alpha)
    draws = jax.random.categorical(kc, jnp.log(p), shape=(total_count,))
    return jnp.bincount(draws, length=alpha.shape[-1])


def _minmax_norm(t):
    tmin = jnp.min(t)
    tmax = jnp.max(t)
    num = t - tmin
    den = tmax - tmin
    # tf.math.divide_no_nan semantics
    return jnp.where(den == 0, jnp.zeros_like(num), num / den)


def reference(x, scdata, W, b, gamma, beta):
    key = jax.random.key(42)
    # Dense(10, relu)
    h = jax.nn.relu(x @ W + b)  # [B, 10]
    alpha = jnp.maximum(h, 1e-6)  # positive concentration (TF requires alpha > 0)
    ks = jax.random.split(key, alpha.shape[0] + 1)
    counts = jax.vmap(lambda k, a: _dirichlet_multinomial(k, a, TOTAL_COUNT))(ks[:-1], alpha)
    counts = counts.astype(jnp.int32)
    c0 = counts[0]  # model only uses x[0][c]
    # Subsampling per cell type: shuffle rows, take first c0[c], sum over rows; then Add
    kperm = jax.random.split(ks[-1], N_CELLTYPES)
    acc = jnp.zeros((N_GENES,), jnp.float32)
    for c in range(N_CELLTYPES):
        perm = jax.random.permutation(kperm[c], N_CELLS)
        shuffled = jnp.take(scdata[c], perm, axis=0)
        mask = (jnp.arange(N_CELLS) < c0[c]).astype(jnp.float32)
        acc = acc + jnp.sum(shuffled * mask[:, None], axis=0)
    # Log1p
    y = jnp.log1p(acc)
    # LayerNormalization over last axis (keras default epsilon=1e-3)
    mean = jnp.mean(y)
    var = jnp.var(y)
    yn = (y - mean) / jnp.sqrt(var + 1e-3) * gamma + beta
    # MinMaxNorm
    return _minmax_norm(yn)

if __name__ == "__main__":
    import jax
    _d = setup_inputs()
    print(jax.jit(kernel)(*tuple(_d.values())))

</pallas_src>

<mosaic_0001>
#map = affine_map<(d0, d1) -> (0, 0)>
#map1 = affine_map<(d0, d1) -> (0)>
module attributes {stable_mosaic.version = 14 : i64} {
  func.func @k(%arg0: i32, %arg1: i32, %arg2: memref<10000x5000xf32, #tpu.memory_space<hbm>>, %arg3: memref<512xi32, #tpu.memory_space<hbm>>, %arg4: memref<32x5000xf32, #tpu.memory_space<hbm>>, %arg5: memref<16xi32, #tpu.memory_space<vmem>>, %arg6: memref<16x5000xf32, #tpu.memory_space<vmem>>, %arg7: memref<5000xf32, #tpu.memory_space<vmem>>, %arg8: memref<!tpu.dma_semaphore, #tpu.memory_space<semaphore_mem>>) attributes {dimension_semantics = [#tpu.dimension_semantics<core_parallel>, #tpu.dimension_semantics<subcore_parallel>], iteration_bounds = array<i64: 2, 16>, scalar_prefetch = 0 : i64, scratch_operands = 4 : i64, tpu.core_type = #tpu.core_type<sc_vector_subcore>, window_params = [{transform_indices = #map}, {transform_indices = #map1}, {transform_indices = #map}]} {
    %mul3A = arith.constant 2 : i32
    %mul3A_0 = arith.muli %arg1, %mul3A : i32
    %add3A = arith.addi %mul3A_0, %arg0 : i32
    %mul3A_1 = arith.constant 16 : i32
    %mul3A_2 = arith.muli %add3A, %mul3A_1 : i32
    "tpu.region"() ({
      %run_scoped3A = tpu.sem_alloc : memref<!tpu.dma_semaphore, #tpu.memory_space<semaphore_mem>>
      %dma_start3A = tpu.memref_slice %arg3[%mul3A_2] : memref<512xi32, #tpu.memory_space<hbm>> -> memref<16xi32, #tpu.memory_space<hbm>>
      %dma_start3A_11 = tpu.memref_slice %arg3[%mul3A_2] : memref<512xi32, #tpu.memory_space<hbm>> -> memref<16xi32, #tpu.memory_space<hbm>>
      tpu.enqueue_dma source(%dma_start3A_11 : memref<16xi32, #tpu.memory_space<hbm>>) target(%arg5 : memref<16xi32, #tpu.memory_space<vmem>>) target_semaphore(%run_scoped3A : memref<!tpu.dma_semaphore, #tpu.memory_space<semaphore_mem>>)
      %dma_wait3A = tpu.memref_slice %arg3[%mul3A_2] : memref<512xi32, #tpu.memory_space<hbm>> -> memref<16xi32, #tpu.memory_space<hbm>>
      %dma_wait3A_12 = tpu.memref_slice %arg3[%mul3A_2] : memref<512xi32, #tpu.memory_space<hbm>> -> memref<16xi32, #tpu.memory_space<hbm>>
      tpu.wait_dma2 semaphore(%run_scoped3A : memref<!tpu.dma_semaphore, #tpu.memory_space<semaphore_mem>>) src(%dma_wait3A_12 : memref<16xi32, #tpu.memory_space<hbm>>) dst(%arg5 : memref<16xi32, #tpu.memory_space<vmem>>)
      tpu.yield
    }) : () -> ()
    %get3A = arith.constant 0 : index
    %get3A_3 = tpu.vector_load %arg5[%get3A] {strides = array<i32>} : memref<16xi32, #tpu.memory_space<vmem>>, vector<16xi32>,
    %get3A_4 = vector.shape_cast %get3A_3 : vector<16xi32> to vector<16xi32>
    %lt3A = arith.constant 31 : i32
    %lt3A_5 = arith.cmpi slt, %add3A, %lt3A : i32
    %convert_element_type3A = arith.extui %lt3A_5 : i1 to i32
    %cond3A = arith.constant 0 : i32
    %cond3A_6 = arith.cmpi ne, %convert_element_type3A, %cond3A : i32
    scf.if %cond3A_6 {
      %slice3A = vector.extract_strided_slice %get3A_4 {offsets = [0], sizes = [1], strides = [1]} : vector<16xi32> to vector<1xi32>
      %squeeze3A = vector.extract %slice3A[0] : i32 from vector<1xi32>
      %dma_start3A = arith.constant 0 : i32
      %dma_start3A_11 = arith.constant 0 : i32
      %dma_start3A_12 = tpu.memref_slice %arg6[%dma_start3A, %dma_start3A_11] : memref<16x5000xf32, #tpu.memory_space<vmem>> -> memref<1x5000xf32, #tpu.memory_space<vmem>>
      %dma_start3A_13 = tpu.memref_squeeze %dma_start3A_12 : memref<1x5000xf32, #tpu.memory_space<vmem>> -> memref<5000xf32, #tpu.memory_space<vmem>>
      %dma_start3A_14 = arith.constant 0 : i32
      %dma_start3A_15 = tpu.memref_slice %arg2[%squeeze3A, %dma_start3A_14] : memref<10000x5000xf32, #tpu.memory_space<hbm>> -> memref<1x5000xf32, #tpu.memory_space<hbm>>
      %dma_start3A_16 = tpu.memref_squeeze %dma_start3A_15 : memref<1x5000xf32, #tpu.memory_space<hbm>> -> memref<5000xf32, #tpu.memory_space<hbm>>
      %dma_start3A_17 = arith.constant 0 : i32
      %dma_start3A_18 = tpu.memref_slice %arg6[%dma_start3A, %dma_start3A_17] : memref<16x5000xf32, #tpu.memory_space<vmem>> -> memref<1x5000xf32, #tpu.memory_space<vmem>>
      %dma_start3A_19 = tpu.memref_squeeze %dma_start3A_18 : memref<1x5000xf32, #tpu.memory_space<vmem>> -> memref<5000xf32, #tpu.memory_space<vmem>>
      %dma_start3A_20 = arith.constant 0 : i32
      %dma_start3A_21 = tpu.memref_slice %arg2[%squeeze3A, %dma_start3A_20] : memref<10000x5000xf32, #tpu.memory_space<hbm>> -> memref<1x5000xf32, #tpu.memory_space<hbm>>
      %dma_start3A_22 = tpu.memref_squeeze %dma_start3A_21 : memref<1x5000xf32, #tpu.memory_space<hbm>> -> memref<5000xf32, #tpu.memory_space<hbm>>
      tpu.enqueue_dma source(%dma_start3A_22 : memref<5000xf32, #tpu.memory_space<hbm>>) target(%dma_start3A_19 : memref<5000xf32, #tpu.memory_space<vmem>>) target_semaphore(%arg8 : memref<!tpu.dma_semaphore, #tpu.memory_space<semaphore_mem>>)
      %slice3A_23 = vector.extract_strided_slice %get3A_4 {offsets = [1], sizes = [1], strides = [1]} : vector<16xi32> to vector<1xi32>
      %squeeze3A_24 = vector.extract %slice3A_23[0] : i32 from vector<1xi32>
      %dma_start3A_25 = arith.constant 1 : i32
      %dma_start3A_26 = arith.constant 0 : i32
      %dma_start3A_27 = tpu.memref_slice %arg6[%dma_start3A_25, %dma_start3A_26] : memref<16x5000xf32, #tpu.memory_space<vmem>> -> memref<1x5000xf32, #tpu.memory_space<vmem>>
      %dma_start3A_28 = tpu.memref_squeeze %dma_start3A_27 : memref<1x5000xf32, #tpu.memory_space<vmem>> -> memref<5000xf32, #tpu.memory_space<vmem>>
      %dma_start3A_29 = arith.constant 0 : i32
      %dma_start3A_30 = tpu.memref_slice %arg2[%squeeze3A_24, %dma_start3A_29] : memref<10000x5000xf32, #tpu.memory_space<hbm>> -> memref<1x5000xf32, #tpu.memory_space<hbm>>
      %dma_start3A_31 = tpu.memref_squeeze %dma_start3A_30 : memref<1x5000xf32, #tpu.memory_space<hbm>> -> memref<5000xf32, #tpu.memory_space<hbm>>
      %dma_start3A_32 = arith.constant 0 : i32
      %dma_start3A_33 = tpu.memref_slice %arg6[%dma_start3A_25, %dma_start3A_32] : memref<16x5000xf32, #tpu.memory_space<vmem>> -> memref<1x5000xf32, #tpu.memory_space<vmem>>
      %dma_start3A_34 = tpu.memref_squeeze %dma_start3A_33 : memref<1x5000xf32, #tpu.memory_space<vmem>> -> memref<5000xf32, #tpu.memory_space<vmem>>
      %dma_start3A_35 = arith.constant 0 : i32
      %dma_start3A_36 = tpu.memref_slice %arg2[%squeeze3A_24, %dma_start3A_35] : memref<10000x5000xf32, #tpu.memory_space<hbm>> -> memref<1x5000xf32, #tpu.memory_space<hbm>>
      %dma_start3A_37 = tpu.memref_squeeze %dma_start3A_36 : memref<1x5000xf32, #tpu.memory_space<hbm>> -> memref<5000xf32, #tpu.memory_space<hbm>>
      tpu.enqueue_dma source(%dma_start3A_37 : memref<5000xf32, #tpu.memory_space<hbm>>) target(%dma_start3A_34 : memref<5000xf32, #tpu.memory_space<vmem>>) target_semaphore(%arg8 : memref<!tpu.dma_semaphore, #tpu.memory_space<semaphore_mem>>)
      %slice3A_38 = vector.extract_strided_slice %get3A_4 {offsets = [2], sizes = [1], strides = [1]} : vector<16xi32> to vector<1xi32>
      %squeeze3A_39 = vector.extract %slice3A_38[0] : i32 from vector<1xi32>
      %dma_start3A_40 = arith.constant 2 : i32
      %dma_start3A_41 = arith.constant 0 : i32
      %dma_start3A_42 = tpu.memref_slice %arg6[%dma_start3A_40, %dma_start3A_41] : memref<16x5000xf32, #tpu.memory_space<vmem>> -> memref<1x5000xf32, #tpu.memory_space<vmem>>
      %dma_start3A_43 = tpu.memref_squeeze %dma_start3A_42 : memref<1x5000xf32, #tpu.memory_space<vmem>> -> memref<5000xf32, #tpu.memory_space<vmem>>
      %dma_start3A_44 = arith.constant 0 : i32
      %dma_start3A_45 = tpu.memref_slice %arg2[%squeeze3A_39, %dma_start3A_44] : memref<10000x5000xf32, #tpu.memory_space<hbm>> -> memref<1x5000xf32, #tpu.memory_space<hbm>>
      %dma_start3A_46 = tpu.memref_squeeze %dma_start3A_45 : memref<1x5000xf32, #tpu.memory_space<hbm>> -> memref<5000xf32, #tpu.memory_space<hbm>>
      %dma_start3A_47 = arith.constant 0 : i32
      %dma_start3A_48 = tpu.memref_slice %arg6[%dma_start3A_40, %dma_start3A_47] : memref<16x5000xf32, #tpu.memory_space<vmem>> -> memref<1x5000xf32, #tpu.memory_space<vmem>>
      %dma_start3A_49 = tpu.memref_squeeze %dma_start3A_48 : memref<1x5000xf32, #tpu.memory_space<vmem>> -> memref<5000xf32, #tpu.memory_space<vmem>>
      %dma_start3A_50 = arith.constant 0 : i32
      %dma_start3A_51 = tpu.memref_slice %arg2[%squeeze3A_39, %dma_start3A_50] : memref<10000x5000xf32, #tpu.memory_space<hbm>> -> memref<1x5000xf32, #tpu.memory_space<hbm>>
      %dma_start3A_52 = tpu.memref_squeeze %dma_start3A_51 : memref<1x5000xf32, #tpu.memory_space<hbm>> -> memref<5000xf32, #tpu.memory_space<hbm>>
      tpu.enqueue_dma source(%dma_start3A_52 : memref<5000xf32, #tpu.memory_space<hbm>>) target(%dma_start3A_49 : memref<5000xf32, #tpu.memory_space<vmem>>) target_semaphore(%arg8 : memref<!tpu.dma_semaphore, #tpu.memory_space<semaphore_mem>>)
      %slice3A_53 = vector.extract_strided_slice %get3A_4 {offsets = [3], sizes = [1], strides = [1]} : vector<16xi32> to vector<1xi32>
      %squeeze3A_54 = vector.extract %slice3A_53[0] : i32 from vector<1xi32>
      %dma_start3A_55 = arith.constant 3 : i32
      %dma_start3A_56 = arith.constant 0 : i32
      %dma_start3A_57 = tpu.memref_slice %arg6[%dma_start3A_55, %dma_start3A_56] : memref<16x5000xf32, #tpu.memory_space<vmem>> -> memref<1x5000xf32, #tpu.memory_space<vmem>>
      %dma_start3A_58 = tpu.memref_squeeze %dma_start3A_57 : memref<1x5000xf32, #tpu.memory_space<vmem>> -> memref<5000xf32, #tpu.memory_space<vmem>>
      %dma_start3A_59 = arith.constant 0 : i32
      %dma_start3A_60 = tpu.memref_slice %arg2[%squeeze3A_54, %dma_start3A_59] : memref<10000x5000xf32, #tpu.memory_space<hbm>> -> memref<1x5000xf32, #tpu.memory_space<hbm>>
      %dma_start3A_61 = tpu.memref_squeeze %dma_start3A_60 : memref<1x5000xf32, #tpu.memory_space<hbm>> -> memref<5000xf32, #tpu.memory_space<hbm>>
      %dma_start3A_62 = arith.constant 0 : i32
      %dma_start3A_63 = tpu.memref_slice %arg6[%dma_start3A_55, %dma_start3A_62] : memref<16x5000xf32, #tpu.memory_space<vmem>> -> memref<1x5000xf32, #tpu.memory_space<vmem>>
      %dma_start3A_64 = tpu.memref_squeeze %dma_start3A_63 : memref<1x5000xf32, #tpu.memory_space<vmem>> -> memref<5000xf32, #tpu.memory_space<vmem>>
      %dma_start3A_65 = arith.constant 0 : i32
      %dma_start3A_66 = tpu.memref_slice %arg2[%squeeze3A_54, %dma_start3A_65] : memref<10000x5000xf32, #tpu.memory_space<hbm>> -> memref<1x5000xf32, #tpu.memory_space<hbm>>
      %dma_start3A_67 = tpu.memref_squeeze %dma_start3A_66 : memref<1x5000xf32, #tpu.memory_space<hbm>> -> memref<5000xf32, #tpu.memory_space<hbm>>
      tpu.enqueue_dma source(%dma_start3A_67 : memref<5000xf32, #tpu.memory_space<hbm>>) target(%dma_start3A_64 : memref<5000xf32, #tpu.memory_space<vmem>>) target_semaphore(%arg8 : memref<!tpu.dma_semaphore, #tpu.memory_space<semaphore_mem>>)
      %slice3A_68 = vector.extract_strided_slice %get3A_4 {offsets = [4], sizes = [1], strides = [1]} : vector<16xi32> to vector<1xi32>
      %squeeze3A_69 = vector.extract %slice3A_68[0] : i32 from vector<1xi32>
      %dma_start3A_70 = arith.constant 4 : i32
      %dma_start3A_71 = arith.constant 0 : i32
      %dma_start3A_72 = tpu.memref_slice %arg6[%dma_start3A_70, %dma_start3A_71] : memref<16x5000xf32, #tpu.memory_space<vmem>> -> memref<1x5000xf32, #tpu.memory_space<vmem>>
      %dma_start3A_73 = tpu.memref_squeeze %dma_start3A_72 : memref<1x5000xf32, #tpu.memory_space<vmem>> -> memref<5000xf32, #tpu.memory_space<vmem>>
      %dma_start3A_74 = arith.constant 0 : i32
      %dma_start3A_75 = tpu.memref_slice %arg2[%squeeze3A_69, %dma_start3A_74] : memref<10000x5000xf32, #tpu.memory_space<hbm>> -> memref<1x5000xf32, #tpu.memory_space<hbm>>
      %dma_start3A_76 = tpu.memref_squeeze %dma_start3A_75 : memref<1x5000xf32, #tpu.memory_space<hbm>> -> memref<5000xf32, #tpu.memory_space<hbm>>
      %dma_start3A_77 = arith.constant 0 : i32
      %dma_start3A_78 = tpu.memref_slice %arg6[%dma_start3A_70, %dma_start3A_77] : memref<16x5000xf32, #tpu.memory_space<vmem>> -> memref<1x5000xf32, #tpu.memory_space<vmem>>
      %dma_start3A_79 = tpu.memref_squeeze %dma_start3A_78 : memref<1x5000xf32, #tpu.memory_space<vmem>> -> memref<5000xf32, #tpu.memory_space<vmem>>
      %dma_start3A_80 = arith.constant 0 : i32
      %dma_start3A_81 = tpu.memref_slice %arg2[%squeeze3A_69, %dma_start3A_80] : memref<10000x5000xf32, #tpu.memory_space<hbm>> -> memref<1x5000xf32, #tpu.memory_space<hbm>>
      %dma_start3A_82 = tpu.memref_squeeze %dma_start3A_81 : memref<1x5000xf32, #tpu.memory_space<hbm>> -> memref<5000xf32, #tpu.memory_space<hbm>>
      tpu.enqueue_dma source(%dma_start3A_82 : memref<5000xf32, #tpu.memory_space<hbm>>) target(%dma_start3A_79 : memref<5000xf32, #tpu.memory_space<vmem>>) target_semaphore(%arg8 : memref<!tpu.dma_semaphore, #tpu.memory_space<semaphore_mem>>)
      %slice3A_83 = vector.extract_strided_slice %get3A_4 {offsets = [5], sizes = [1], strides = [1]} : vector<16xi32> to vector<1xi32>
      %squeeze3A_84 = vector.extract %slice3A_83[0] : i32 from vector<1xi32>
      %dma_start3A_85 = arith.constant 5 : i32
      %dma_start3A_86 = arith.constant 0 : i32
      %dma_start3A_87 = tpu.memref_slice %arg6[%dma_start3A_85, %dma_start3A_86] : memref<16x5000xf32, #tpu.memory_space<vmem>> -> memref<1x5000xf32, #tpu.memory_space<vmem>>
      %dma_start3A_88 = tpu.memref_squeeze %dma_start3A_87 : memref<1x5000xf32, #tpu.memory_space<vmem>> -> memref<5000xf32, #tpu.memory_space<vmem>>
      %dma_start3A_89 = arith.constant 0 : i32
      %dma_start3A_90 = tpu.memref_slice %arg2[%squeeze3A_84, %dma_start3A_89] : memref<10000x5000xf32, #tpu.memory_space<hbm>> -> memref<1x5000xf32, #tpu.memory_space<hbm>>
      %dma_start3A_91 = tpu.memref_squeeze %dma_start3A_90 : memref<1x5000xf32, #tpu.memory_space<hbm>> -> memref<5000xf32, #tpu.memory_space<hbm>>
      %dma_start3A_92 = arith.constant 0 : i32
      %dma_start3A_93 = tpu.memref_slice %arg6[%dma_start3A_85, %dma_start3A_92] : memref<16x5000xf32, #tpu.memory_space<vmem>> -> memref<1x5000xf32, #tpu.memory_space<vmem>>
      %dma_start3A_94 = tpu.memref_squeeze %dma_start3A_93 : memref<1x5000xf32, #tpu.memory_space<vmem>> -> memref<5000xf32, #tpu.memory_space<vmem>>
      %dma_start3A_95 = arith.constant 0 : i32
      %dma_start3A_96 = tpu.memref_slice %arg2[%squeeze3A_84, %dma_start3A_95] : memref<10000x5000xf32, #tpu.memory_space<hbm>> -> memref<1x5000xf32, #tpu.memory_space<hbm>>
      %dma_start3A_97 = tpu.memref_squeeze %dma_start3A_96 : memref<1x5000xf32, #tpu.memory_space<hbm>> -> memref<5000xf32, #tpu.memory_space<hbm>>
      tpu.enqueue_dma source(%dma_start3A_97 : memref<5000xf32, #tpu.memory_space<hbm>>) target(%dma_start3A_94 : memref<5000xf32, #tpu.memory_space<vmem>>) target_semaphore(%arg8 : memref<!tpu.dma_semaphore, #tpu.memory_space<semaphore_mem>>)
      %slice3A_98 = vector.extract_strided_slice %get3A_4 {offsets = [6], sizes = [1], strides = [1]} : vector<16xi32> to vector<1xi32>
      %squeeze3A_99 = vector.extract %slice3A_98[0] : i32 from vector<1xi32>
      %dma_start3A_100 = arith.constant 6 : i32
      %dma_start3A_101 = arith.constant 0 : i32
      %dma_start3A_102 = tpu.memref_slice %arg6[%dma_start3A_100, %dma_start3A_101] : memref<16x5000xf32, #tpu.memory_space<vmem>> -> memref<1x5000xf32, #tpu.memory_space<vmem>>
      %dma_start3A_103 = tpu.memref_squeeze %dma_start3A_102 : memref<1x5000xf32, #tpu.memory_space<vmem>> -> memref<5000xf32, #tpu.memory_space<vmem>>
      %dma_start3A_104 = arith.constant 0 : i32
      %dma_start3A_105 = tpu.memref_slice %arg2[%squeeze3A_99, %dma_start3A_104] : memref<10000x5000xf32, #tpu.memory_space<hbm>> -> memref<1x5000xf32, #tpu.memory_space<hbm>>
      %dma_start3A_106 = tpu.memref_squeeze %dma_start3A_105 : memref<1x5000xf32, #tpu.memory_space<hbm>> -> memref<5000xf32, #tpu.memory_space<hbm>>
      %dma_start3A_107 = arith.constant 0 : i32
      %dma_start3A_108 = tpu.memref_slice %arg6[%dma_start3A_100, %dma_start3A_107] : memref<16x5000xf32, #tpu.memory_space<vmem>> -> memref<1x5000xf32, #tpu.memory_space<vmem>>
      %dma_start3A_109 = tpu.memref_squeeze %dma_start3A_108 : memref<1x5000xf32, #tpu.memory_space<vmem>> -> memref<5000xf32, #tpu.memory_space<vmem>>
      %dma_start3A_110 = arith.constant 0 : i32
      %dma_start3A_111 = tpu.memref_slice %arg2[%squeeze3A_99, %dma_start3A_110] : memref<10000x5000xf32, #tpu.memory_space<hbm>> -> memref<1x5000xf32, #tpu.memory_space<hbm>>
      %dma_start3A_112 = tpu.memref_squeeze %dma_start3A_111 : memref<1x5000xf32, #tpu.memory_space<hbm>> -> memref<5000xf32, #tpu.memory_space<hbm>>
      tpu.enqueue_dma source(%dma_start3A_112 : memref<5000xf32, #tpu.memory_space<hbm>>) target(%dma_start3A_109 : memref<5000xf32, #tpu.memory_space<vmem>>) target_semaphore(%arg8 : memref<!tpu.dma_semaphore, #tpu.memory_space<semaphore_mem>>)
      %slice3A_113 = vector.extract_strided_slice %get3A_4 {offsets = [7], sizes = [1], strides = [1]} : vector<16xi32> to vector<1xi32>
      %squeeze3A_114 = vector.extract %slice3A_113[0] : i32 from vector<1xi32>
      %dma_start3A_115 = arith.constant 7 : i32
      %dma_start3A_116 = arith.constant 0 : i32
      %dma_start3A_117 = tpu.memref_slice %arg6[%dma_start3A_115, %dma_start3A_116] : memref<16x5000xf32, #tpu.memory_space<vmem>> -> memref<1x5000xf32, #tpu.memory_space<vmem>>
      %dma_start3A_118 = tpu.memref_squeeze %dma_start3A_117 : memref<1x5000xf32, #tpu.memory_space<vmem>> -> memref<5000xf32, #tpu.memory_space<vmem>>
      %dma_start3A_119 = arith.constant 0 : i32
      %dma_start3A_120 = tpu.memref_slice %arg2[%squeeze3A_114, %dma_start3A_119] : memref<10000x5000xf32, #tpu.memory_space<hbm>> -> memref<1x5000xf32, #tpu.memory_space<hbm>>
      %dma_start3A_121 = tpu.memref_squeeze %dma_start3A_120 : memref<1x5000xf32, #tpu.memory_space<hbm>> -> memref<5000xf32, #tpu.memory_space<hbm>>
      %dma_start3A_122 = arith.constant 0 : i32
      %dma_start3A_123 = tpu.memref_slice %arg6[%dma_start3A_115, %dma_start3A_122] : memref<16x5000xf32, #tpu.memory_space<vmem>> -> memref<1x5000xf32, #tpu.memory_space<vmem>>
      %dma_start3A_124 = tpu.memref_squeeze %dma_start3A_123 : memref<1x5000xf32, #tpu.memory_space<vmem>> -> memref<5000xf32, #tpu.memory_space<vmem>>
      %dma_start3A_125 = arith.constant 0 : i32
      %dma_start3A_126 = tpu.memref_slice %arg2[%squeeze3A_114, %dma_start3A_125] : memref<10000x5000xf32, #tpu.memory_space<hbm>> -> memref<1x5000xf32, #tpu.memory_space<hbm>>
      %dma_start3A_127 = tpu.memref_squeeze %dma_start3A_126 : memref<1x5000xf32, #tpu.memory_space<hbm>> -> memref<5000xf32, #tpu.memory_space<hbm>>
      tpu.enqueue_dma source(%dma_start3A_127 : memref<5000xf32, #tpu.memory_space<hbm>>) target(%dma_start3A_124 : memref<5000xf32, #tpu.memory_space<vmem>>) target_semaphore(%arg8 : memref<!tpu.dma_semaphore, #tpu.memory_space<semaphore_mem>>)
      %slice3A_128 = vector.extract_strided_slice %get3A_4 {offsets = [8], sizes = [1], strides = [1]} : vector<16xi32> to vector<1xi32>
      %squeeze3A_129 = vector.extract %slice3A_128[0] : i32 from vector<1xi32>
      %dma_start3A_130 = arith.constant 8 : i32
      %dma_start3A_131 = arith.constant 0 : i32
      %dma_start3A_132 = tpu.memref_slice %arg6[%dma_start3A_130, %dma_start3A_131] : memref<16x5000xf32, #tpu.memory_space<vmem>> -> memref<1x5000xf32, #tpu.memory_space<vmem>>
      %dma_start3A_133 = tpu.memref_squeeze %dma_start3A_132 : memref<1x5000xf32, #tpu.memory_space<vmem>> -> memref<5000xf32, #tpu.memory_space<vmem>>
      %dma_start3A_134 = arith.constant 0 : i32
      %dma_start3A_135 = tpu.memref_slice %arg2[%squeeze3A_129, %dma_start3A_134] : memref<10000x5000xf32, #tpu.memory_space<hbm>> -> memref<1x5000xf32, #tpu.memory_space<hbm>>
      %dma_start3A_136 = tpu.memref_squeeze %dma_start3A_135 : memref<1x5000xf32, #tpu.memory_space<hbm>> -> memref<5000xf32, #tpu.memory_space<hbm>>
      %dma_start3A_137 = arith.constant 0 : i32
      %dma_start3A_138 = tpu.memref_slice %arg6[%dma_start3A_130, %dma_start3A_137] : memref<16x5000xf32, #tpu.memory_space<vmem>> -> memref<1x5000xf32, #tpu.memory_space<vmem>>
      %dma_start3A_139 = tpu.memref_squeeze %dma_start3A_138 : memref<1x5000xf32, #tpu.memory_space<vmem>> -> memref<5000xf32, #tpu.memory_space<vmem>>
      %dma_start3A_140 = arith.constant 0 : i32
      %dma_start3A_141 = tpu.memref_slice %arg2[%squeeze3A_129, %dma_start3A_140] : memref<10000x5000xf32, #tpu.memory_space<hbm>> -> memref<1x5000xf32, #tpu.memory_space<hbm>>
      %dma_start3A_142 = tpu.memref_squeeze %dma_start3A_141 : memref<1x5000xf32, #tpu.memory_space<hbm>> -> memref<5000xf32, #tpu.memory_space<hbm>>
      tpu.enqueue_dma source(%dma_start3A_142 : memref<5000xf32, #tpu.memory_space<hbm>>) target(%dma_start3A_139 : memref<5000xf32, #tpu.memory_space<vmem>>) target_semaphore(%arg8 : memref<!tpu.dma_semaphore, #tpu.memory_space<semaphore_mem>>)
      %slice3A_143 = vector.extract_strided_slice %get3A_4 {offsets = [9], sizes = [1], strides = [1]} : vector<16xi32> to vector<1xi32>
      %squeeze3A_144 = vector.extract %slice3A_143[0] : i32 from vector<1xi32>
      %dma_start3A_145 = arith.constant 9 : i32
      %dma_start3A_146 = arith.constant 0 : i32
      %dma_start3A_147 = tpu.memref_slice %arg6[%dma_start3A_145, %dma_start3A_146] : memref<16x5000xf32, #tpu.memory_space<vmem>> -> memref<1x5000xf32, #tpu.memory_space<vmem>>
      %dma_start3A_148 = tpu.memref_squeeze %dma_start3A_147 : memref<1x5000xf32, #tpu.memory_space<vmem>> -> memref<5000xf32, #tpu.memory_space<vmem>>
      %dma_start3A_149 = arith.constant 0 : i32
      %dma_start3A_150 = tpu.memref_slice %arg2[%squeeze3A_144, %dma_start3A_149] : memref<10000x5000xf32, #tpu.memory_space<hbm>> -> memref<1x5000xf32, #tpu.memory_space<hbm>>
      %dma_start3A_151 = tpu.memref_squeeze %dma_start3A_150 : memref<1x5000xf32, #tpu.memory_space<hbm>> -> memref<5000xf32, #tpu.memory_space<hbm>>
      %dma_start3A_152 = arith.constant 0 : i32
      %dma_start3A_153 = tpu.memref_slice %arg6[%dma_start3A_145, %dma_start3A_152] : memref<16x5000xf32, #tpu.memory_space<vmem>> -> memref<1x5000xf32, #tpu.memory_space<vmem>>
      %dma_start3A_154 = tpu.memref_squeeze %dma_start3A_153 : memref<1x5000xf32, #tpu.memory_space<vmem>> -> memref<5000xf32, #tpu.memory_space<vmem>>
      %dma_start3A_155 = arith.constant 0 : i32
      %dma_start3A_156 = tpu.memref_slice %arg2[%squeeze3A_144, %dma_start3A_155] : memref<10000x5000xf32, #tpu.memory_space<hbm>> -> memref<1x5000xf32, #tpu.memory_space<hbm>>
      %dma_start3A_157 = tpu.memref_squeeze %dma_start3A_156 : memref<1x5000xf32, #tpu.memory_space<hbm>> -> memref<5000xf32, #tpu.memory_space<hbm>>
      tpu.enqueue_dma source(%dma_start3A_157 : memref<5000xf32, #tpu.memory_space<hbm>>) target(%dma_start3A_154 : memref<5000xf32, #tpu.memory_space<vmem>>) target_semaphore(%arg8 : memref<!tpu.dma_semaphore, #tpu.memory_space<semaphore_mem>>)
      %slice3A_158 = vector.extract_strided_slice %get3A_4 {offsets = [10], sizes = [1], strides = [1]} : vector<16xi32> to vector<1xi32>
      %squeeze3A_159 = vector.extract %slice3A_158[0] : i32 from vector<1xi32>
      %dma_start3A_160 = arith.constant 10 : i32
      %dma_start3A_161 = arith.constant 0 : i32
      %dma_start3A_162 = tpu.memref_slice %arg6[%dma_start3A_160, %dma_start3A_161] : memref<16x5000xf32, #tpu.memory_space<vmem>> -> memref<1x5000xf32, #tpu.memory_space<vmem>>
      %dma_start3A_163 = tpu.memref_squeeze %dma_start3A_162 : memref<1x5000xf32, #tpu.memory_space<vmem>> -> memref<5000xf32, #tpu.memory_space<vmem>>
      %dma_start3A_164 = arith.constant 0 : i32
      %dma_start3A_165 = tpu.memref_slice %arg2[%squeeze3A_159, %dma_start3A_164] : memref<10000x5000xf32, #tpu.memory_space<hbm>> -> memref<1x5000xf32, #tpu.memory_space<hbm>>
      %dma_start3A_166 = tpu.memref_squeeze %dma_start3A_165 : memref<1x5000xf32, #tpu.memory_space<hbm>> -> memref<5000xf32, #tpu.memory_space<hbm>>
      %dma_start3A_167 = arith.constant 0 : i32
      %dma_start3A_168 = tpu.memref_slice %arg6[%dma_start3A_160, %dma_start3A_167] : memref<16x5000xf32, #tpu.memory_space<vmem>> -> memref<1x5000xf32, #tpu.memory_space<vmem>>
      %dma_start3A_169 = tpu.memref_squeeze %dma_start3A_168 : memref<1x5000xf32, #tpu.memory_space<vmem>> -> memref<5000xf32, #tpu.memory_space<vmem>>
      %dma_start3A_170 = arith.constant 0 : i32
      %dma_start3A_171 = tpu.memref_slice %arg2[%squeeze3A_159, %dma_start3A_170] : memref<10000x5000xf32, #tpu.memory_space<hbm>> -> memref<1x5000xf32, #tpu.memory_space<hbm>>
      %dma_start3A_172 = tpu.memref_squeeze %dma_start3A_171 : memref<1x5000xf32, #tpu.memory_space<hbm>> -> memref<5000xf32, #tpu.memory_space<hbm>>
      tpu.enqueue_dma source(%dma_start3A_172 : memref<5000xf32, #tpu.memory_space<hbm>>) target(%dma_start3A_169 : memref<5000xf32, #tpu.memory_space<vmem>>) target_semaphore(%arg8 : memref<!tpu.dma_semaphore, #tpu.memory_space<semaphore_mem>>)
      %slice3A_173 = vector.extract_strided_slice %get3A_4 {offsets = [11], sizes = [1], strides = [1]} : vector<16xi32> to vector<1xi32>
      %squeeze3A_174 = vector.extract %slice3A_173[0] : i32 from vector<1xi32>
      %dma_start3A_175 = arith.constant 11 : i32
      %dma_start3A_176 = arith.constant 0 : i32
      %dma_start3A_177 = tpu.memref_slice %arg6[%dma_start3A_175, %dma_start3A_176] : memref<16x5000xf32, #tpu.memory_space<vmem>> -> memref<1x5000xf32, #tpu.memory_space<vmem>>
      %dma_start3A_178 = tpu.memref_squeeze %dma_start3A_177 : memref<1x5000xf32, #tpu.memory_space<vmem>> -> memref<5000xf32, #tpu.memory_space<vmem>>
      %dma_start3A_179 = arith.constant 0 : i32
      %dma_start3A_180 = tpu.memref_slice %arg2[%squeeze3A_174, %dma_start3A_179] : memref<10000x5000xf32, #tpu.memory_space<hbm>> -> memref<1x5000xf32, #tpu.memory_space<hbm>>
      %dma_start3A_181 = tpu.memref_squeeze %dma_start3A_180 : memref<1x5000xf32, #tpu.memory_space<hbm>> -> memref<5000xf32, #tpu.memory_space<hbm>>
      %dma_start3A_182 = arith.constant 0 : i32
      %dma_start3A_183 = tpu.memref_slice %arg6[%dma_start3A_175, %dma_start3A_182] : memref<16x5000xf32, #tpu.memory_space<vmem>> -> memref<1x5000xf32, #tpu.memory_space<vmem>>
      %dma_start3A_184 = tpu.memref_squeeze %dma_start3A_183 : memref<1x5000xf32, #tpu.memory_space<vmem>> -> memref<5000xf32, #tpu.memory_space<vmem>>
      %dma_start3A_185 = arith.constant 0 : i32
      %dma_start3A_186 = tpu.memref_slice %arg2[%squeeze3A_174, %dma_start3A_185] : memref<10000x5000xf32, #tpu.memory_space<hbm>> -> memref<1x5000xf32, #tpu.memory_space<hbm>>
      %dma_start3A_187 = tpu.memref_squeeze %dma_start3A_186 : memref<1x5000xf32, #tpu.memory_space<hbm>> -> memref<5000xf32, #tpu.memory_space<hbm>>
      tpu.enqueue_dma source(%dma_start3A_187 : memref<5000xf32, #tpu.memory_space<hbm>>) target(%dma_start3A_184 : memref<5000xf32, #tpu.memory_space<vmem>>) target_semaphore(%arg8 : memref<!tpu.dma_semaphore, #tpu.memory_space<semaphore_mem>>)
      %slice3A_188 = vector.extract_strided_slice %get3A_4 {offsets = [12], sizes = [1], strides = [1]} : vector<16xi32> to vector<1xi32>
      %squeeze3A_189 = vector.extract %slice3A_188[0] : i32 from vector<1xi32>
      %dma_start3A_190 = arith.constant 12 : i32
      %dma_start3A_191 = arith.constant 0 : i32
      %dma_start3A_192 = tpu.memref_slice %arg6[%dma_start3A_190, %dma_start3A_191] : memref<16x5000xf32, #tpu.memory_space<vmem>> -> memref<1x5000xf32, #tpu.memory_space<vmem>>
      %dma_start3A_193 = tpu.memref_squeeze %dma_start3A_192 : memref<1x5000xf32, #tpu.memory_space<vmem>> -> memref<5000xf32, #tpu.memory_space<vmem>>
      %dma_start3A_194 = arith.constant 0 : i32
      %dma_start3A_195 = tpu.memref_slice %arg2[%squeeze3A_189, %dma_start3A_194] : memref<10000x5000xf32, #tpu.memory_space<hbm>> -> memref<1x5000xf32, #tpu.memory_space<hbm>>
      %dma_start3A_196 = tpu.memref_squeeze %dma_start3A_195 : memref<1x5000xf32, #tpu.memory_space<hbm>> -> memref<5000xf32, #tpu.memory_space<hbm>>
      %dma_start3A_197 = arith.constant 0 : i32
      %dma_start3A_198 = tpu.memref_slice %arg6[%dma_start3A_190, %dma_start3A_197] : memref<16x5000xf32, #tpu.memory_space<vmem>> -> memref<1x5000xf32, #tpu.memory_space<vmem>>
      %dma_start3A_199 = tpu.memref_squeeze %dma_start3A_198 : memref<1x5000xf32, #tpu.memory_space<vmem>> -> memref<5000xf32, #tpu.memory_space<vmem>>
      %dma_start3A_200 = arith.constant 0 : i32
      %dma_start3A_201 = tpu.memref_slice %arg2[%squeeze3A_189, %dma_start3A_200] : memref<10000x5000xf32, #tpu.memory_space<hbm>> -> memref<1x5000xf32, #tpu.memory_space<hbm>>
      %dma_start3A_202 = tpu.memref_squeeze %dma_start3A_201 : memref<1x5000xf32, #tpu.memory_space<hbm>> -> memref<5000xf32, #tpu.memory_space<hbm>>
      tpu.enqueue_dma source(%dma_start3A_202 : memref<5000xf32, #tpu.memory_space<hbm>>) target(%dma_start3A_199 : memref<5000xf32, #tpu.memory_space<vmem>>) target_semaphore(%arg8 : memref<!tpu.dma_semaphore, #tpu.memory_space<semaphore_mem>>)
      %slice3A_203 = vector.extract_strided_slice %get3A_4 {offsets = [13], sizes = [1], strides = [1]} : vector<16xi32> to vector<1xi32>
      %squeeze3A_204 = vector.extract %slice3A_203[0] : i32 from vector<1xi32>
      %dma_start3A_205 = arith.constant 13 : i32
      %dma_start3A_206 = arith.constant 0 : i32
      %dma_start3A_207 = tpu.memref_slice %arg6[%dma_start3A_205, %dma_start3A_206] : memref<16x5000xf32, #tpu.memory_space<vmem>> -> memref<1x5000xf32, #tpu.memory_space<vmem>>
      %dma_start3A_208 = tpu.memref_squeeze %dma_start3A_207 : memref<1x5000xf32, #tpu.memory_space<vmem>> -> memref<5000xf32, #tpu.memory_space<vmem>>
      %dma_start3A_209 = arith.constant 0 : i32
      %dma_start3A_210 = tpu.memref_slice %arg2[%squeeze3A_204, %dma_start3A_209] : memref<10000x5000xf32, #tpu.memory_space<hbm>> -> memref<1x5000xf32, #tpu.memory_space<hbm>>
      %dma_start3A_211 = tpu.memref_squeeze %dma_start3A_210 : memref<1x5000xf32, #tpu.memory_space<hbm>> -> memref<5000xf32, #tpu.memory_space<hbm>>
      %dma_start3A_212 = arith.constant 0 : i32
      %dma_start3A_213 = tpu.memref_slice %arg6[%dma_start3A_205, %dma_start3A_212] : memref<16x5000xf32, #tpu.memory_space<vmem>> -> memref<1x5000xf32, #tpu.memory_space<vmem>>
      %dma_start3A_214 = tpu.memref_squeeze %dma_start3A_213 : memref<1x5000xf32, #tpu.memory_space<vmem>> -> memref<5000xf32, #tpu.memory_space<vmem>>
      %dma_start3A_215 = arith.constant 0 : i32
      %dma_start3A_216 = tpu.memref_slice %arg2[%squeeze3A_204, %dma_start3A_215] : memref<10000x5000xf32, #tpu.memory_space<hbm>> -> memref<1x5000xf32, #tpu.memory_space<hbm>>
      %dma_start3A_217 = tpu.memref_squeeze %dma_start3A_216 : memref<1x5000xf32, #tpu.memory_space<hbm>> -> memref<5000xf32, #tpu.memory_space<hbm>>
      tpu.enqueue_dma source(%dma_start3A_217 : memref<5000xf32, #tpu.memory_space<hbm>>) target(%dma_start3A_214 : memref<5000xf32, #tpu.memory_space<vmem>>) target_semaphore(%arg8 : memref<!tpu.dma_semaphore, #tpu.memory_space<semaphore_mem>>)
      %slice3A_218 = vector.extract_strided_slice %get3A_4 {offsets = [14], sizes = [1], strides = [1]} : vector<16xi32> to vector<1xi32>
      %squeeze3A_219 = vector.extract %slice3A_218[0] : i32 from vector<1xi32>
      %dma_start3A_220 = arith.constant 14 : i32
      %dma_start3A_221 = arith.constant 0 : i32
      %dma_start3A_222 = tpu.memref_slice %arg6[%dma_start3A_220, %dma_start3A_221] : memref<16x5000xf32, #tpu.memory_space<vmem>> -> memref<1x5000xf32, #tpu.memory_space<vmem>>
      %dma_start3A_223 = tpu.memref_squeeze %dma_start3A_222 : memref<1x5000xf32, #tpu.memory_space<vmem>> -> memref<5000xf32, #tpu.memory_space<vmem>>
      %dma_start3A_224 = arith.constant 0 : i32
      %dma_start3A_225 = tpu.memref_slice %arg2[%squeeze3A_219, %dma_start3A_224] : memref<10000x5000xf32, #tpu.memory_space<hbm>> -> memref<1x5000xf32, #tpu.memory_space<hbm>>
      %dma_start3A_226 = tpu.memref_squeeze %dma_start3A_225 : memref<1x5000xf32, #tpu.memory_space<hbm>> -> memref<5000xf32, #tpu.memory_space<hbm>>
      %dma_start3A_227 = arith.constant 0 : i32
      %dma_start3A_228 = tpu.memref_slice %arg6[%dma_start3A_220, %dma_start3A_227] : memref<16x5000xf32, #tpu.memory_space<vmem>> -> memref<1x5000xf32, #tpu.memory_space<vmem>>
      %dma_start3A_229 = tpu.memref_squeeze %dma_start3A_228 : memref<1x5000xf32, #tpu.memory_space<vmem>> -> memref<5000xf32, #tpu.memory_space<vmem>>
      %dma_start3A_230 = arith.constant 0 : i32
      %dma_start3A_231 = tpu.memref_slice %arg2[%squeeze3A_219, %dma_start3A_230] : memref<10000x5000xf32, #tpu.memory_space<hbm>> -> memref<1x5000xf32, #tpu.memory_space<hbm>>
      %dma_start3A_232 = tpu.memref_squeeze %dma_start3A_231 : memref<1x5000xf32, #tpu.memory_space<hbm>> -> memref<5000xf32, #tpu.memory_space<hbm>>
      tpu.enqueue_dma source(%dma_start3A_232 : memref<5000xf32, #tpu.memory_space<hbm>>) target(%dma_start3A_229 : memref<5000xf32, #tpu.memory_space<vmem>>) target_semaphore(%arg8 : memref<!tpu.dma_semaphore, #tpu.memory_space<semaphore_mem>>)
      %slice3A_233 = vector.extract_strided_slice %get3A_4 {offsets = [15], sizes = [1], strides = [1]} : vector<16xi32> to vector<1xi32>
      %squeeze3A_234 = vector.extract %slice3A_233[0] : i32 from vector<1xi32>
      %dma_start3A_235 = arith.constant 15 : i32
      %dma_start3A_236 = arith.constant 0 : i32
      %dma_start3A_237 = tpu.memref_slice %arg6[%dma_start3A_235, %dma_start3A_236] : memref<16x5000xf32, #tpu.memory_space<vmem>> -> memref<1x5000xf32, #tpu.memory_space<vmem>>
      %dma_start3A_238 = tpu.memref_squeeze %dma_start3A_237 : memref<1x5000xf32, #tpu.memory_space<vmem>> -> memref<5000xf32, #tpu.memory_space<vmem>>
      %dma_start3A_239 = arith.constant 0 : i32
      %dma_start3A_240 = tpu.memref_slice %arg2[%squeeze3A_234, %dma_start3A_239] : memref<10000x5000xf32, #tpu.memory_space<hbm>> -> memref<1x5000xf32, #tpu.memory_space<hbm>>
      %dma_start3A_241 = tpu.memref_squeeze %dma_start3A_240 : memref<1x5000xf32, #tpu.memory_space<hbm>> -> memref<5000xf32, #tpu.memory_space<hbm>>
      %dma_start3A_242 = arith.constant 0 : i32
      %dma_start3A_243 = tpu.memref_slice %arg6[%dma_start3A_235, %dma_start3A_242] : memref<16x5000xf32, #tpu.memory_space<vmem>> -> memref<1x5000xf32, #tpu.memory_space<vmem>>
      %dma_start3A_244 = tpu.memref_squeeze %dma_start3A_243 : memref<1x5000xf32, #tpu.memory_space<vmem>> -> memref<5000xf32, #tpu.memory_space<vmem>>
      %dma_start3A_245 = arith.constant 0 : i32
      %dma_start3A_246 = tpu.memref_slice %arg2[%squeeze3A_234, %dma_start3A_245] : memref<10000x5000xf32, #tpu.memory_space<hbm>> -> memref<1x5000xf32, #tpu.memory_space<hbm>>
      %dma_start3A_247 = tpu.memref_squeeze %dma_start3A_246 : memref<1x5000xf32, #tpu.memory_space<hbm>> -> memref<5000xf32, #tpu.memory_space<hbm>>
      tpu.enqueue_dma source(%dma_start3A_247 : memref<5000xf32, #tpu.memory_space<hbm>>) target(%dma_start3A_244 : memref<5000xf32, #tpu.memory_space<vmem>>) target_semaphore(%arg8 : memref<!tpu.dma_semaphore, #tpu.memory_space<semaphore_mem>>)
      %dma_wait3A = arith.constant 0 : i32
      %dma_wait3A_248 = arith.constant 0 : i32
      %dma_wait3A_249 = tpu.memref_slice %arg6[%dma_wait3A, %dma_wait3A_248] : memref<16x5000xf32, #tpu.memory_space<vmem>> -> memref<1x5000xf32, #tpu.memory_space<vmem>>
      %dma_wait3A_250 = tpu.memref_squeeze %dma_wait3A_249 : memref<1x5000xf32, #tpu.memory_space<vmem>> -> memref<5000xf32, #tpu.memory_space<vmem>>
      %dma_wait3A_251 = arith.constant 0 : i32
      %dma_wait3A_252 = tpu.memref_slice %arg2[%squeeze3A, %dma_wait3A_251] : memref<10000x5000xf32, #tpu.memory_space<hbm>> -> memref<1x5000xf32, #tpu.memory_space<hbm>>
      %dma_wait3A_253 = tpu.memref_squeeze %dma_wait3A_252 : memref<1x5000xf32, #tpu.memory_space<hbm>> -> memref<5000xf32, #tpu.memory_space<hbm>>
      %dma_wait3A_254 = arith.constant 0 : i32
      %dma_wait3A_255 = tpu.memref_slice %arg6[%dma_wait3A, %dma_wait3A_254] : memref<16x5000xf32, #tpu.memory_space<vmem>> -> memref<1x5000xf32, #tpu.memory_space<vmem>>
      %dma_wait3A_256 = tpu.memref_squeeze %dma_wait3A_255 : memref<1x5000xf32, #tpu.memory_space<vmem>> -> memref<5000xf32, #tpu.memory_space<vmem>>
      %dma_wait3A_257 = arith.constant 0 : i32
      %dma_wait3A_258 = tpu.memref_slice %arg2[%squeeze3A, %dma_wait3A_257] : memref<10000x5000xf32, #tpu.memory_space<hbm>> -> memref<1x5000xf32, #tpu.memory_space<hbm>>
      %dma_wait3A_259 = tpu.memref_squeeze %dma_wait3A_258 : memref<1x5000xf32, #tpu.memory_space<hbm>> -> memref<5000xf32, #tpu.memory_space<hbm>>
      tpu.wait_dma2 semaphore(%arg8 : memref<!tpu.dma_semaphore, #tpu.memory_space<semaphore_mem>>) src(%dma_wait3A_259 : memref<5000xf32, #tpu.memory_space<hbm>>) dst(%dma_wait3A_256 : memref<5000xf32, #tpu.memory_space<vmem>>)
      %dma_wait3A_260 = arith.constant 1 : i32
      %dma_wait3A_261 = arith.constant 0 : i32
      %dma_wait3A_262 = tpu.memref_slice %arg6[%dma_wait3A_260, %dma_wait3A_261] : memref<16x5000xf32, #tpu.memory_space<vmem>> -> memref<1x5000xf32, #tpu.memory_space<vmem>>
      %dma_wait3A_263 = tpu.memref_squeeze %dma_wait3A_262 : memref<1x5000xf32, #tpu.memory_space<vmem>> -> memref<5000xf32, #tpu.memory_space<vmem>>
      %dma_wait3A_264 = arith.constant 0 : i32
      %dma_wait3A_265 = tpu.memref_slice %arg2[%squeeze3A_24, %dma_wait3A_264] : memref<10000x5000xf32, #tpu.memory_space<hbm>> -> memref<1x5000xf32, #tpu.memory_space<hbm>>
      %dma_wait3A_266 = tpu.memref_squeeze %dma_wait3A_265 : memref<1x5000xf32, #tpu.memory_space<hbm>> -> memref<5000xf32, #tpu.memory_space<hbm>>
      %dma_wait3A_267 = arith.constant 0 : i32
      %dma_wait3A_268 = tpu.memref_slice %arg6[%dma_wait3A_260, %dma_wait3A_267] : memref<16x5000xf32, #tpu.memory_space<vmem>> -> memref<1x5000xf32, #tpu.memory_space<vmem>>
      %dma_wait3A_269 = tpu.memref_squeeze %dma_wait3A_268 : memref<1x5000xf32, #tpu.memory_space<vmem>> -> memref<5000xf32, #tpu.memory_space<vmem>>
      %dma_wait3A_270 = arith.constant 0 : i32
      %dma_wait3A_271 = tpu.memref_slice %arg2[%squeeze3A_24, %dma_wait3A_270] : memref<10000x5000xf32, #tpu.memory_space<hbm>> -> memref<1x5000xf32, #tpu.memory_space<hbm>>
      %dma_wait3A_272 = tpu.memref_squeeze %dma_wait3A_271 : memref<1x5000xf32, #tpu.memory_space<hbm>> -> memref<5000xf32, #tpu.memory_space<hbm>>
      tpu.wait_dma2 semaphore(%arg8 : memref<!tpu.dma_semaphore, #tpu.memory_space<semaphore_mem>>) src(%dma_wait3A_272 : memref<5000xf32, #tpu.memory_space<hbm>>) dst(%dma_wait3A_269 : memref<5000xf32, #tpu.memory_space<vmem>>)
      %dma_wait3A_273 = arith.constant 2 : i32
      %dma_wait3A_274 = arith.constant 0 : i32
      %dma_wait3A_275 = tpu.memref_slice %arg6[%dma_wait3A_273, %dma_wait3A_274] : memref<16x5000xf32, #tpu.memory_space<vmem>> -> memref<1x5000xf32, #tpu.memory_space<vmem>>
      %dma_wait3A_276 = tpu.memref_squeeze %dma_wait3A_275 : memref<1x5000xf32, #tpu.memory_space<vmem>> -> memref<5000xf32, #tpu.memory_space<vmem>>
      %dma_wait3A_277 = arith.constant 0 : i32
      %dma_wait3A_278 = tpu.memref_slice %arg2[%squeeze3A_39, %dma_wait3A_277] : memref<10000x5000xf32, #tpu.memory_space<hbm>> -> memref<1x5000xf32, #tpu.memory_space<hbm>>
      %dma_wait3A_279 = tpu.memref_squeeze %dma_wait3A_278 : memref<1x5000xf32, #tpu.memory_space<hbm>> -> memref<5000xf32, #tpu.memory_space<hbm>>
      %dma_wait3A_280 = arith.constant 0 : i32
      %dma_wait3A_281 = tpu.memref_slice %arg6[%dma_wait3A_273, %dma_wait3A_280] : memref<16x5000xf32, #tpu.memory_space<vmem>> -> memref<1x5000xf32, #tpu.memory_space<vmem>>
      %dma_wait3A_282 = tpu.memref_squeeze %dma_wait3A_281 : memref<1x5000xf32, #tpu.memory_space<vmem>> -> memref<5000xf32, #tpu.memory_space<vmem>>
      %dma_wait3A_283 = arith.constant 0 : i32
      %dma_wait3A_284 = tpu.memref_slice %arg2[%squeeze3A_39, %dma_wait3A_283] : memref<10000x5000xf32, #tpu.memory_space<hbm>> -> memref<1x5000xf32, #tpu.memory_space<hbm>>
      %dma_wait3A_285 = tpu.memref_squeeze %dma_wait3A_284 : memref<1x5000xf32, #tpu.memory_space<hbm>> -> memref<5000xf32, #tpu.memory_space<hbm>>
      tpu.wait_dma2 semaphore(%arg8 : memref<!tpu.dma_semaphore, #tpu.memory_space<semaphore_mem>>) src(%dma_wait3A_285 : memref<5000xf32, #tpu.memory_space<hbm>>) dst(%dma_wait3A_282 : memref<5000xf32, #tpu.memory_space<vmem>>)
      %dma_wait3A_286 = arith.constant 3 : i32
      %dma_wait3A_287 = arith.constant 0 : i32
      %dma_wait3A_288 = tpu.memref_slice %arg6[%dma_wait3A_286, %dma_wait3A_287] : memref<16x5000xf32, #tpu.memory_space<vmem>> -> memref<1x5000xf32, #tpu.memory_space<vmem>>
      %dma_wait3A_289 = tpu.memref_squeeze %dma_wait3A_288 : memref<1x5000xf32, #tpu.memory_space<vmem>> -> memref<5000xf32, #tpu.memory_space<vmem>>
      %dma_wait3A_290 = arith.constant 0 : i32
      %dma_wait3A_291 = tpu.memref_slice %arg2[%squeeze3A_54, %dma_wait3A_290] : memref<10000x5000xf32, #tpu.memory_space<hbm>> -> memref<1x5000xf32, #tpu.memory_space<hbm>>
      %dma_wait3A_292 = tpu.memref_squeeze %dma_wait3A_291 : memref<1x5000xf32, #tpu.memory_space<hbm>> -> memref<5000xf32, #tpu.memory_space<hbm>>
      %dma_wait3A_293 = arith.constant 0 : i32
      %dma_wait3A_294 = tpu.memref_slice %arg6[%dma_wait3A_286, %dma_wait3A_293] : memref<16x5000xf32, #tpu.memory_space<vmem>> -> memref<1x5000xf32, #tpu.memory_space<vmem>>
      %dma_wait3A_295 = tpu.memref_squeeze %dma_wait3A_294 : memref<1x5000xf32, #tpu.memory_space<vmem>> -> memref<5000xf32, #tpu.memory_space<vmem>>
      %dma_wait3A_296 = arith.constant 0 : i32
      %dma_wait3A_297 = tpu.memref_slice %arg2[%squeeze3A_54, %dma_wait3A_296] : memref<10000x5000xf32, #tpu.memory_space<hbm>> -> memref<1x5000xf32, #tpu.memory_space<hbm>>
      %dma_wait3A_298 = tpu.memref_squeeze %dma_wait3A_297 : memref<1x5000xf32, #tpu.memory_space<hbm>> -> memref<5000xf32, #tpu.memory_space<hbm>>
      tpu.wait_dma2 semaphore(%arg8 : memref<!tpu.dma_semaphore, #tpu.memory_space<semaphore_mem>>) src(%dma_wait3A_298 : memref<5000xf32, #tpu.memory_space<hbm>>) dst(%dma_wait3A_295 : memref<5000xf32, #tpu.memory_space<vmem>>)
      %dma_wait3A_299 = arith.constant 4 : i32
      %dma_wait3A_300 = arith.constant 0 : i32
      %dma_wait3A_301 = tpu.memref_slice %arg6[%dma_wait3A_299, %dma_wait3A_300] : memref<16x5000xf32, #tpu.memory_space<vmem>> -> memref<1x5000xf32, #tpu.memory_space<vmem>>
      %dma_wait3A_302 = tpu.memref_squeeze %dma_wait3A_301 : memref<1x5000xf32, #tpu.memory_space<vmem>> -> memref<5000xf32, #tpu.memory_space<vmem>>
      %dma_wait3A_303 = arith.constant 0 : i32
      %dma_wait3A_304 = tpu.memref_slice %arg2[%squeeze3A_69, %dma_wait3A_303] : memref<10000x5000xf32, #tpu.memory_space<hbm>> -> memref<1x5000xf32, #tpu.memory_space<hbm>>
      %dma_wait3A_305 = tpu.memref_squeeze %dma_wait3A_304 : memref<1x5000xf32, #tpu.memory_space<hbm>> -> memref<5000xf32, #tpu.memory_space<hbm>>
      %dma_wait3A_306 = arith.constant 0 : i32
      %dma_wait3A_307 = tpu.memref_slice %arg6[%dma_wait3A_299, %dma_wait3A_306] : memref<16x5000xf32, #tpu.memory_space<vmem>> -> memref<1x5000xf32, #tpu.memory_space<vmem>>
      %dma_wait3A_308 = tpu.memref_squeeze %dma_wait3A_307 : memref<1x5000xf32, #tpu.memory_space<vmem>> -> memref<5000xf32, #tpu.memory_space<vmem>>
      %dma_wait3A_309 = arith.constant 0 : i32
      %dma_wait3A_310 = tpu.memref_slice %arg2[%squeeze3A_69, %dma_wait3A_309] : memref<10000x5000xf32, #tpu.memory_space<hbm>> -> memref<1x5000xf32, #tpu.memory_space<hbm>>
      %dma_wait3A_311 = tpu.memref_squeeze %dma_wait3A_310 : memref<1x5000xf32, #tpu.memory_space<hbm>> -> memref<5000xf32, #tpu.memory_space<hbm>>
      tpu.wait_dma2 semaphore(%arg8 : memref<!tpu.dma_semaphore, #tpu.memory_space<semaphore_mem>>) src(%dma_wait3A_311 : memref<5000xf32, #tpu.memory_space<hbm>>) dst(%dma_wait3A_308 : memref<5000xf32, #tpu.memory_space<vmem>>)
      %dma_wait3A_312 = arith.constant 5 : i32
      %dma_wait3A_313 = arith.constant 0 : i32
      %dma_wait3A_314 = tpu.memref_slice %arg6[%dma_wait3A_312, %dma_wait3A_313] : memref<16x5000xf32, #tpu.memory_space<vmem>> -> memref<1x5000xf32, #tpu.memory_space<vmem>>
      %dma_wait3A_315 = tpu.memref_squeeze %dma_wait3A_314 : memref<1x5000xf32, #tpu.memory_space<vmem>> -> memref<5000xf32, #tpu.memory_space<vmem>>
      %dma_wait3A_316 = arith.constant 0 : i32
      %dma_wait3A_317 = tpu.memref_slice %arg2[%squeeze3A_84, %dma_wait3A_316] : memref<10000x5000xf32, #tpu.memory_space<hbm>> -> memref<1x5000xf32, #tpu.memory_space<hbm>>
      %dma_wait3A_318 = tpu.memref_squeeze %dma_wait3A_317 : memref<1x5000xf32, #tpu.memory_space<hbm>> -> memref<5000xf32, #tpu.memory_space<hbm>>
      %dma_wait3A_319 = arith.constant 0 : i32
      %dma_wait3A_320 = tpu.memref_slice %arg6[%dma_wait3A_312, %dma_wait3A_319] : memref<16x5000xf32, #tpu.memory_space<vmem>> -> memref<1x5000xf32, #tpu.memory_space<vmem>>
      %dma_wait3A_321 = tpu.memref_squeeze %dma_wait3A_320 : memref<1x5000xf32, #tpu.memory_space<vmem>> -> memref<5000xf32, #tpu.memory_space<vmem>>
      %dma_wait3A_322 = arith.constant 0 : i32
      %dma_wait3A_323 = tpu.memref_slice %arg2[%squeeze3A_84, %dma_wait3A_322] : memref<10000x5000xf32, #tpu.memory_space<hbm>> -> memref<1x5000xf32, #tpu.memory_space<hbm>>
      %dma_wait3A_324 = tpu.memref_squeeze %dma_wait3A_323 : memref<1x5000xf32, #tpu.memory_space<hbm>> -> memref<5000xf32, #tpu.memory_space<hbm>>
      tpu.wait_dma2 semaphore(%arg8 : memref<!tpu.dma_semaphore, #tpu.memory_space<semaphore_mem>>) src(%dma_wait3A_324 : memref<5000xf32, #tpu.memory_space<hbm>>) dst(%dma_wait3A_321 : memref<5000xf32, #tpu.memory_space<vmem>>)
      %dma_wait3A_325 = arith.constant 6 : i32
      %dma_wait3A_326 = arith.constant 0 : i32
      %dma_wait3A_327 = tpu.memref_slice %arg6[%dma_wait3A_325, %dma_wait3A_326] : memref<16x5000xf32, #tpu.memory_space<vmem>> -> memref<1x5000xf32, #tpu.memory_space<vmem>>
      %dma_wait3A_328 = tpu.memref_squeeze %dma_wait3A_327 : memref<1x5000xf32, #tpu.memory_space<vmem>> -> memref<5000xf32, #tpu.memory_space<vmem>>
      %dma_wait3A_329 = arith.constant 0 : i32
      %dma_wait3A_330 = tpu.memref_slice %arg2[%squeeze3A_99, %dma_wait3A_329] : memref<10000x5000xf32, #tpu.memory_space<hbm>> -> memref<1x5000xf32, #tpu.memory_space<hbm>>
      %dma_wait3A_331 = tpu.memref_squeeze %dma_wait3A_330 : memref<1x5000xf32, #tpu.memory_space<hbm>> -> memref<5000xf32, #tpu.memory_space<hbm>>
      %dma_wait3A_332 = arith.constant 0 : i32
      %dma_wait3A_333 = tpu.memref_slice %arg6[%dma_wait3A_325, %dma_wait3A_332] : memref<16x5000xf32, #tpu.memory_space<vmem>> -> memref<1x5000xf32, #tpu.memory_space<vmem>>
      %dma_wait3A_334 = tpu.memref_squeeze %dma_wait3A_333 : memref<1x5000xf32, #tpu.memory_space<vmem>> -> memref<5000xf32, #tpu.memory_space<vmem>>
      %dma_wait3A_335 = arith.constant 0 : i32
      %dma_wait3A_336 = tpu.memref_slice %arg2[%squeeze3A_99, %dma_wait3A_335] : memref<10000x5000xf32, #tpu.memory_space<hbm>> -> memref<1x5000xf32, #tpu.memory_space<hbm>>
      %dma_wait3A_337 = tpu.memref_squeeze %dma_wait3A_336 : memref<1x5000xf32, #tpu.memory_space<hbm>> -> memref<5000xf32, #tpu.memory_space<hbm>>
      tpu.wait_dma2 semaphore(%arg8 : memref<!tpu.dma_semaphore, #tpu.memory_space<semaphore_mem>>) src(%dma_wait3A_337 : memref<5000xf32, #tpu.memory_space<hbm>>) dst(%dma_wait3A_334 : memref<5000xf32, #tpu.memory_space<vmem>>)
      %dma_wait3A_338 = arith.constant 7 : i32
      %dma_wait3A_339 = arith.constant 0 : i32
      %dma_wait3A_340 = tpu.memref_slice %arg6[%dma_wait3A_338, %dma_wait3A_339] : memref<16x5000xf32, #tpu.memory_space<vmem>> -> memref<1x5000xf32, #tpu.memory_space<vmem>>
      %dma_wait3A_341 = tpu.memref_squeeze %dma_wait3A_340 : memref<1x5000xf32, #tpu.memory_space<vmem>> -> memref<5000xf32, #tpu.memory_space<vmem>>
      %dma_wait3A_342 = arith.constant 0 : i32
      %dma_wait3A_343 = tpu.memref_slice %arg2[%squeeze3A_114, %dma_wait3A_342] : memref<10000x5000xf32, #tpu.memory_space<hbm>> -> memref<1x5000xf32, #tpu.memory_space<hbm>>
      %dma_wait3A_344 = tpu.memref_squeeze %dma_wait3A_343 : memref<1x5000xf32, #tpu.memory_space<hbm>> -> memref<5000xf32, #tpu.memory_space<hbm>>
      %dma_wait3A_345 = arith.constant 0 : i32
      %dma_wait3A_346 = tpu.memref_slice %arg6[%dma_wait3A_338, %dma_wait3A_345] : memref<16x5000xf32, #tpu.memory_space<vmem>> -> memref<1x5000xf32, #tpu.memory_space<vmem>>
      %dma_wait3A_347 = tpu.memref_squeeze %dma_wait3A_346 : memref<1x5000xf32, #tpu.memory_space<vmem>> -> memref<5000xf32, #tpu.memory_space<vmem>>
      %dma_wait3A_348 = arith.constant 0 : i32
      %dma_wait3A_349 = tpu.memref_slice %arg2[%squeeze3A_114, %dma_wait3A_348] : memref<10000x5000xf32, #tpu.memory_space<hbm>> -> memref<1x5000xf32, #tpu.memory_space<hbm>>
      %dma_wait3A_350 = tpu.memref_squeeze %dma_wait3A_349 : memref<1x5000xf32, #tpu.memory_space<hbm>> -> memref<5000xf32, #tpu.memory_space<hbm>>
      tpu.wait_dma2 semaphore(%arg8 : memref<!tpu.dma_semaphore, #tpu.memory_space<semaphore_mem>>) src(%dma_wait3A_350 : memref<5000xf32, #tpu.memory_space<hbm>>) dst(%dma_wait3A_347 : memref<5000xf32, #tpu.memory_space<vmem>>)
      %dma_wait3A_351 = arith.constant 8 : i32
      %dma_wait3A_352 = arith.constant 0 : i32
      %dma_wait3A_353 = tpu.memref_slice %arg6[%dma_wait3A_351, %dma_wait3A_352] : memref<16x5000xf32, #tpu.memory_space<vmem>> -> memref<1x5000xf32, #tpu.memory_space<vmem>>
      %dma_wait3A_354 = tpu.memref_squeeze %dma_wait3A_353 : memref<1x5000xf32, #tpu.memory_space<vmem>> -> memref<5000xf32, #tpu.memory_space<vmem>>
      %dma_wait3A_355 = arith.constant 0 : i32
      %dma_wait3A_356 = tpu.memref_slice %arg2[%squeeze3A_129, %dma_wait3A_355] : memref<10000x5000xf32, #tpu.memory_space<hbm>> -> memref<1x5000xf32, #tpu.memory_space<hbm>>
      %dma_wait3A_357 = tpu.memref_squeeze %dma_wait3A_356 : memref<1x5000xf32, #tpu.memory_space<hbm>> -> memref<5000xf32, #tpu.memory_space<hbm>>
      %dma_wait3A_358 = arith.constant 0 : i32
      %dma_wait3A_359 = tpu.memref_slice %arg6[%dma_wait3A_351, %dma_wait3A_358] : memref<16x5000xf32, #tpu.memory_space<vmem>> -> memref<1x5000xf32, #tpu.memory_space<vmem>>
      %dma_wait3A_360 = tpu.memref_squeeze %dma_wait3A_359 : memref<1x5000xf32, #tpu.memory_space<vmem>> -> memref<5000xf32, #tpu.memory_space<vmem>>
      %dma_wait3A_361 = arith.constant 0 : i32
      %dma_wait3A_362 = tpu.memref_slice %arg2[%squeeze3A_129, %dma_wait3A_361] : memref<10000x5000xf32, #tpu.memory_space<hbm>> -> memref<1x5000xf32, #tpu.memory_space<hbm>>
      %dma_wait3A_363 = tpu.memref_squeeze %dma_wait3A_362 : memref<1x5000xf32, #tpu.memory_space<hbm>> -> memref<5000xf32, #tpu.memory_space<hbm>>
      tpu.wait_dma2 semaphore(%arg8 : memref<!tpu.dma_semaphore, #tpu.memory_space<semaphore_mem>>) src(%dma_wait3A_363 : memref<5000xf32, #tpu.memory_space<hbm>>) dst(%dma_wait3A_360 : memref<5000xf32, #tpu.memory_space<vmem>>)
      %dma_wait3A_364 = arith.constant 9 : i32
      %dma_wait3A_365 = arith.constant 0 : i32
      %dma_wait3A_366 = tpu.memref_slice %arg6[%dma_wait3A_364, %dma_wait3A_365] : memref<16x5000xf32, #tpu.memory_space<vmem>> -> memref<1x5000xf32, #tpu.memory_space<vmem>>
      %dma_wait3A_367 = tpu.memref_squeeze %dma_wait3A_366 : memref<1x5000xf32, #tpu.memory_space<vmem>> -> memref<5000xf32, #tpu.memory_space<vmem>>
      %dma_wait3A_368 = arith.constant 0 : i32
      %dma_wait3A_369 = tpu.memref_slice %arg2[%squeeze3A_144, %dma_wait3A_368] : memref<10000x5000xf32, #tpu.memory_space<hbm>> -> memref<1x5000xf32, #tpu.memory_space<hbm>>
      %dma_wait3A_370 = tpu.memref_squeeze %dma_wait3A_369 : memref<1x5000xf32, #tpu.memory_space<hbm>> -> memref<5000xf32, #tpu.memory_space<hbm>>
      %dma_wait3A_371 = arith.constant 0 : i32
      %dma_wait3A_372 = tpu.memref_slice %arg6[%dma_wait3A_364, %dma_wait3A_371] : memref<16x5000xf32, #tpu.memory_space<vmem>> -> memref<1x5000xf32, #tpu.memory_space<vmem>>
      %dma_wait3A_373 = tpu.memref_squeeze %dma_wait3A_372 : memref<1x5000xf32, #tpu.memory_space<vmem>> -> memref<5000xf32, #tpu.memory_space<vmem>>
      %dma_wait3A_374 = arith.constant 0 : i32
      %dma_wait3A_375 = tpu.memref_slice %arg2[%squeeze3A_144, %dma_wait3A_374] : memref<10000x5000xf32, #tpu.memory_space<hbm>> -> memref<1x5000xf32, #tpu.memory_space<hbm>>
      %dma_wait3A_376 = tpu.memref_squeeze %dma_wait3A_375 : memref<1x5000xf32, #tpu.memory_space<hbm>> -> memref<5000xf32, #tpu.memory_space<hbm>>
      tpu.wait_dma2 semaphore(%arg8 : memref<!tpu.dma_semaphore, #tpu.memory_space<semaphore_mem>>) src(%dma_wait3A_376 : memref<5000xf32, #tpu.memory_space<hbm>>) dst(%dma_wait3A_373 : memref<5000xf32, #tpu.memory_space<vmem>>)
      %dma_wait3A_377 = arith.constant 10 : i32
      %dma_wait3A_378 = arith.constant 0 : i32
      %dma_wait3A_379 = tpu.memref_slice %arg6[%dma_wait3A_377, %dma_wait3A_378] : memref<16x5000xf32, #tpu.memory_space<vmem>> -> memref<1x5000xf32, #tpu.memory_space<vmem>>
      %dma_wait3A_380 = tpu.memref_squeeze %dma_wait3A_379 : memref<1x5000xf32, #tpu.memory_space<vmem>> -> memref<5000xf32, #tpu.memory_space<vmem>>
      %dma_wait3A_381 = arith.constant 0 : i32
      %dma_wait3A_382 = tpu.memref_slice %arg2[%squeeze3A_159, %dma_wait3A_381] : memref<10000x5000xf32, #tpu.memory_space<hbm>> -> memref<1x5000xf32, #tpu.memory_space<hbm>>
      %dma_wait3A_383 = tpu.memref_squeeze %dma_wait3A_382 : memref<1x5000xf32, #tpu.memory_space<hbm>> -> memref<5000xf32, #tpu.memory_space<hbm>>
      %dma_wait3A_384 = arith.constant 0 : i32
      %dma_wait3A_385 = tpu.memref_slice %arg6[%dma_wait3A_377, %dma_wait3A_384] : memref<16x5000xf32, #tpu.memory_space<vmem>> -> memref<1x5000xf32, #tpu.memory_space<vmem>>
      %dma_wait3A_386 = tpu.memref_squeeze %dma_wait3A_385 : memref<1x5000xf32, #tpu.memory_space<vmem>> -> memref<5000xf32, #tpu.memory_space<vmem>>
      %dma_wait3A_387 = arith.constant 0 : i32
      %dma_wait3A_388 = tpu.memref_slice %arg2[%squeeze3A_159, %dma_wait3A_387] : memref<10000x5000xf32, #tpu.memory_space<hbm>> -> memref<1x5000xf32, #tpu.memory_space<hbm>>
      %dma_wait3A_389 = tpu.memref_squeeze %dma_wait3A_388 : memref<1x5000xf32, #tpu.memory_space<hbm>> -> memref<5000xf32, #tpu.memory_space<hbm>>
      tpu.wait_dma2 semaphore(%arg8 : memref<!tpu.dma_semaphore, #tpu.memory_space<semaphore_mem>>) src(%dma_wait3A_389 : memref<5000xf32, #tpu.memory_space<hbm>>) dst(%dma_wait3A_386 : memref<5000xf32, #tpu.memory_space<vmem>>)
      %dma_wait3A_390 = arith.constant 11 : i32
      %dma_wait3A_391 = arith.constant 0 : i32
      %dma_wait3A_392 = tpu.memref_slice %arg6[%dma_wait3A_390, %dma_wait3A_391] : memref<16x5000xf32, #tpu.memory_space<vmem>> -> memref<1x5000xf32, #tpu.memory_space<vmem>>
      %dma_wait3A_393 = tpu.memref_squeeze %dma_wait3A_392 : memref<1x5000xf32, #tpu.memory_space<vmem>> -> memref<5000xf32, #tpu.memory_space<vmem>>
      %dma_wait3A_394 = arith.constant 0 : i32
      %dma_wait3A_395 = tpu.memref_slice %arg2[%squeeze3A_174, %dma_wait3A_394] : memref<10000x5000xf32, #tpu.memory_space<hbm>> -> memref<1x5000xf32, #tpu.memory_space<hbm>>
      %dma_wait3A_396 = tpu.memref_squeeze %dma_wait3A_395 : memref<1x5000xf32, #tpu.memory_space<hbm>> -> memref<5000xf32, #tpu.memory_space<hbm>>
      %dma_wait3A_397 = arith.constant 0 : i32
      %dma_wait3A_398 = tpu.memref_slice %arg6[%dma_wait3A_390, %dma_wait3A_397] : memref<16x5000xf32, #tpu.memory_space<vmem>> -> memref<1x5000xf32, #tpu.memory_space<vmem>>
      %dma_wait3A_399 = tpu.memref_squeeze %dma_wait3A_398 : memref<1x5000xf32, #tpu.memory_space<vmem>> -> memref<5000xf32, #tpu.memory_space<vmem>>
      %dma_wait3A_400 = arith.constant 0 : i32
      %dma_wait3A_401 = tpu.memref_slice %arg2[%squeeze3A_174, %dma_wait3A_400] : memref<10000x5000xf32, #tpu.memory_space<hbm>> -> memref<1x5000xf32, #tpu.memory_space<hbm>>
      %dma_wait3A_402 = tpu.memref_squeeze %dma_wait3A_401 : memref<1x5000xf32, #tpu.memory_space<hbm>> -> memref<5000xf32, #tpu.memory_space<hbm>>
      tpu.wait_dma2 semaphore(%arg8 : memref<!tpu.dma_semaphore, #tpu.memory_space<semaphore_mem>>) src(%dma_wait3A_402 : memref<5000xf32, #tpu.memory_space<hbm>>) dst(%dma_wait3A_399 : memref<5000xf32, #tpu.memory_space<vmem>>)
      %dma_wait3A_403 = arith.constant 12 : i32
      %dma_wait3A_404 = arith.constant 0 : i32
      %dma_wait3A_405 = tpu.memref_slice %arg6[%dma_wait3A_403, %dma_wait3A_404] : memref<16x5000xf32, #tpu.memory_space<vmem>> -> memref<1x5000xf32, #tpu.memory_space<vmem>>
      %dma_wait3A_406 = tpu.memref_squeeze %dma_wait3A_405 : memref<1x5000xf32, #tpu.memory_space<vmem>> -> memref<5000xf32, #tpu.memory_space<vmem>>
      %dma_wait3A_407 = arith.constant 0 : i32
      %dma_wait3A_408 = tpu.memref_slice %arg2[%squeeze3A_189, %dma_wait3A_407] : memref<10000x5000xf32, #tpu.memory_space<hbm>> -> memref<1x5000xf32, #tpu.memory_space<hbm>>
      %dma_wait3A_409 = tpu.memref_squeeze %dma_wait3A_408 : memref<1x5000xf32, #tpu.memory_space<hbm>> -> memref<5000xf32, #tpu.memory_space<hbm>>
      %dma_wait3A_410 = arith.constant 0 : i32
      %dma_wait3A_411 = tpu.memref_slice %arg6[%dma_wait3A_403, %dma_wait3A_410] : memref<16x5000xf32, #tpu.memory_space<vmem>> -> memref<1x5000xf32, #tpu.memory_space<vmem>>
      %dma_wait3A_412 = tpu.memref_squeeze %dma_wait3A_411 : memref<1x5000xf32, #tpu.memory_space<vmem>> -> memref<5000xf32, #tpu.memory_space<vmem>>
      %dma_wait3A_413 = arith.constant 0 : i32
      %dma_wait3A_414 = tpu.memref_slice %arg2[%squeeze3A_189, %dma_wait3A_413] : memref<10000x5000xf32, #tpu.memory_space<hbm>> -> memref<1x5000xf32, #tpu.memory_space<hbm>>
      %dma_wait3A_415 = tpu.memref_squeeze %dma_wait3A_414 : memref<1x5000xf32, #tpu.memory_space<hbm>> -> memref<5000xf32, #tpu.memory_space<hbm>>
      tpu.wait_dma2 semaphore(%arg8 : memref<!tpu.dma_semaphore, #tpu.memory_space<semaphore_mem>>) src(%dma_wait3A_415 : memref<5000xf32, #tpu.memory_space<hbm>>) dst(%dma_wait3A_412 : memref<5000xf32, #tpu.memory_space<vmem>>)
      %dma_wait3A_416 = arith.constant 13 : i32
      %dma_wait3A_417 = arith.constant 0 : i32
      %dma_wait3A_418 = tpu.memref_slice %arg6[%dma_wait3A_416, %dma_wait3A_417] : memref<16x5000xf32, #tpu.memory_space<vmem>> -> memref<1x5000xf32, #tpu.memory_space<vmem>>
      %dma_wait3A_419 = tpu.memref_squeeze %dma_wait3A_418 : memref<1x5000xf32, #tpu.memory_space<vmem>> -> memref<5000xf32, #tpu.memory_space<vmem>>
      %dma_wait3A_420 = arith.constant 0 : i32
      %dma_wait3A_421 = tpu.memref_slice %arg2[%squeeze3A_204, %dma_wait3A_420] : memref<10000x5000xf32, #tpu.memory_space<hbm>> -> memref<1x5000xf32, #tpu.memory_space<hbm>>
      %dma_wait3A_422 = tpu.memref_squeeze %dma_wait3A_421 : memref<1x5000xf32, #tpu.memory_space<hbm>> -> memref<5000xf32, #tpu.memory_space<hbm>>
      %dma_wait3A_423 = arith.constant 0 : i32
      %dma_wait3A_424 = tpu.memref_slice %arg6[%dma_wait3A_416, %dma_wait3A_423] : memref<16x5000xf32, #tpu.memory_space<vmem>> -> memref<1x5000xf32, #tpu.memory_space<vmem>>
      %dma_wait3A_425 = tpu.memref_squeeze %dma_wait3A_424 : memref<1x5000xf32, #tpu.memory_space<vmem>> -> memref<5000xf32, #tpu.memory_space<vmem>>
      %dma_wait3A_426 = arith.constant 0 : i32
      %dma_wait3A_427 = tpu.memref_slice %arg2[%squeeze3A_204, %dma_wait3A_426] : memref<10000x5000xf32, #tpu.memory_space<hbm>> -> memref<1x5000xf32, #tpu.memory_space<hbm>>
      %dma_wait3A_428 = tpu.memref_squeeze %dma_wait3A_427 : memref<1x5000xf32, #tpu.memory_space<hbm>> -> memref<5000xf32, #tpu.memory_space<hbm>>
      tpu.wait_dma2 semaphore(%arg8 : memref<!tpu.dma_semaphore, #tpu.memory_space<semaphore_mem>>) src(%dma_wait3A_428 : memref<5000xf32, #tpu.memory_space<hbm>>) dst(%dma_wait3A_425 : memref<5000xf32, #tpu.memory_space<vmem>>)
      %dma_wait3A_429 = arith.constant 14 : i32
      %dma_wait3A_430 = arith.constant 0 : i32
      %dma_wait3A_431 = tpu.memref_slice %arg6[%dma_wait3A_429, %dma_wait3A_430] : memref<16x5000xf32, #tpu.memory_space<vmem>> -> memref<1x5000xf32, #tpu.memory_space<vmem>>
      %dma_wait3A_432 = tpu.memref_squeeze %dma_wait3A_431 : memref<1x5000xf32, #tpu.memory_space<vmem>> -> memref<5000xf32, #tpu.memory_space<vmem>>
      %dma_wait3A_433 = arith.constant 0 : i32
      %dma_wait3A_434 = tpu.memref_slice %arg2[%squeeze3A_219, %dma_wait3A_433] : memref<10000x5000xf32, #tpu.memory_space<hbm>> -> memref<1x5000xf32, #tpu.memory_space<hbm>>
      %dma_wait3A_435 = tpu.memref_squeeze %dma_wait3A_434 : memref<1x5000xf32, #tpu.memory_space<hbm>> -> memref<5000xf32, #tpu.memory_space<hbm>>
      %dma_wait3A_436 = arith.constant 0 : i32
      %dma_wait3A_437 = tpu.memref_slice %arg6[%dma_wait3A_429, %dma_wait3A_436] : memref<16x5000xf32, #tpu.memory_space<vmem>> -> memref<1x5000xf32, #tpu.memory_space<vmem>>
      %dma_wait3A_438 = tpu.memref_squeeze %dma_wait3A_437 : memref<1x5000xf32, #tpu.memory_space<vmem>> -> memref<5000xf32, #tpu.memory_space<vmem>>
      %dma_wait3A_439 = arith.constant 0 : i32
      %dma_wait3A_440 = tpu.memref_slice %arg2[%squeeze3A_219, %dma_wait3A_439] : memref<10000x5000xf32, #tpu.memory_space<hbm>> -> memref<1x5000xf32, #tpu.memory_space<hbm>>
      %dma_wait3A_441 = tpu.memref_squeeze %dma_wait3A_440 : memref<1x5000xf32, #tpu.memory_space<hbm>> -> memref<5000xf32, #tpu.memory_space<hbm>>
      tpu.wait_dma2 semaphore(%arg8 : memref<!tpu.dma_semaphore, #tpu.memory_space<semaphore_mem>>) src(%dma_wait3A_441 : memref<5000xf32, #tpu.memory_space<hbm>>) dst(%dma_wait3A_438 : memref<5000xf32, #tpu.memory_space<vmem>>)
      %dma_wait3A_442 = arith.constant 15 : i32
      %dma_wait3A_443 = arith.constant 0 : i32
      %dma_wait3A_444 = tpu.memref_slice %arg6[%dma_wait3A_442, %dma_wait3A_443] : memref<16x5000xf32, #tpu.memory_space<vmem>> -> memref<1x5000xf32, #tpu.memory_space<vmem>>
      %dma_wait3A_445 = tpu.memref_squeeze %dma_wait3A_444 : memref<1x5000xf32, #tpu.memory_space<vmem>> -> memref<5000xf32, #tpu.memory_space<vmem>>
      %dma_wait3A_446 = arith.constant 0 : i32
      %dma_wait3A_447 = tpu.memref_slice %arg2[%squeeze3A_234, %dma_wait3A_446] : memref<10000x5000xf32, #tpu.memory_space<hbm>> -> memref<1x5000xf32, #tpu.memory_space<hbm>>
      %dma_wait3A_448 = tpu.memref_squeeze %dma_wait3A_447 : memref<1x5000xf32, #tpu.memory_space<hbm>> -> memref<5000xf32, #tpu.memory_space<hbm>>
      %dma_wait3A_449 = arith.constant 0 : i32
      %dma_wait3A_450 = tpu.memref_slice %arg6[%dma_wait3A_442, %dma_wait3A_449] : memref<16x5000xf32, #tpu.memory_space<vmem>> -> memref<1x5000xf32, #tpu.memory_space<vmem>>
      %dma_wait3A_451 = tpu.memref_squeeze %dma_wait3A_450 : memref<1x5000xf32, #tpu.memory_space<vmem>> -> memref<5000xf32, #tpu.memory_space<vmem>>
      %dma_wait3A_452 = arith.constant 0 : i32
      %dma_wait3A_453 = tpu.memref_slice %arg2[%squeeze3A_234, %dma_wait3A_452] : memref<10000x5000xf32, #tpu.memory_space<hbm>> -> memref<1x5000xf32, #tpu.memory_space<hbm>>
      %dma_wait3A_454 = tpu.memref_squeeze %dma_wait3A_453 : memref<1x5000xf32, #tpu.memory_space<hbm>> -> memref<5000xf32, #tpu.memory_space<hbm>>
      tpu.wait_dma2 semaphore(%arg8 : memref<!tpu.dma_semaphore, #tpu.memory_space<semaphore_mem>>) src(%dma_wait3A_454 : memref<5000xf32, #tpu.memory_space<hbm>>) dst(%dma_wait3A_451 : memref<5000xf32, #tpu.memory_space<vmem>>)
      %scan3A = arith.constant 0 : i32
      %scan3A_455 = arith.constant 0 : i32
      %scan3A_456 = arith.constant 312 : i32
      %scan3A_457 = arith.addi %scan3A_455, %scan3A_456 : i32
      %scan3A_458 = arith.constant 1 : i32
      scf.for %scan3A_564 = %scan3A_455 to %scan3A_457 step %scan3A_458  : i32 {
        %mul3A_565 = arith.constant 16 : i32
        %mul3A_566 = arith.muli %scan3A_564, %mul3A_565 : i32
        %multiple_of3A = tpu.assume_multiple %mul3A_566, 16 : i32
        %get3A_567 = arith.constant 0 : i32
        %get3A_568 = arith.index_cast %get3A_567 : i32 to index
        %get3A_569 = arith.index_cast %multiple_of3A : i32 to index
        %get3A_570 = tpu.vector_load %arg6[%get3A_568, %get3A_569] {strides = array<i32>} : memref<16x5000xf32, #tpu.memory_space<vmem>>, vector<1x16xf32>,
        %get3A_571 = vector.shape_cast %get3A_570 : vector<1x16xf32> to vector<16xf32>
        %get3A_572 = arith.constant 1 : i32
        %get3A_573 = arith.index_cast %get3A_572 : i32 to index
        %get3A_574 = arith.index_cast %multiple_of3A : i32 to index
        %get3A_575 = tpu.vector_load %arg6[%get3A_573, %get3A_574] {strides = array<i32>} : memref<16x5000xf32, #tpu.memory_space<vmem>>, vector<1x16xf32>,
        %get3A_576 = vector.shape_cast %get3A_575 : vector<1x16xf32> to vector<16xf32>
        %add3A_577 = arith.addf %get3A_571, %get3A_576 : vector<16xf32>
        %get3A_578 = arith.constant 2 : i32
        %get3A_579 = arith.index_cast %get3A_578 : i32 to index
        %get3A_580 = arith.index_cast %multiple_of3A : i32 to index
        %get3A_581 = tpu.vector_load %arg6[%get3A_579, %get3A_580] {strides = array<i32>} : memref<16x5000xf32, #tpu.memory_space<vmem>>, vector<1x16xf32>,
        %get3A_582 = vector.shape_cast %get3A_581 : vector<1x16xf32> to vector<16xf32>
        %add3A_583 = arith.addf %add3A_577, %get3A_582 : vector<16xf32>
        %get3A_584 = arith.constant 3 : i32
        %get3A_585 = arith.index_cast %get3A_584 : i32 to index
        %get3A_586 = arith.index_cast %multiple_of3A : i32 to index
        %get3A_587 = tpu.vector_load %arg6[%get3A_585, %get3A_586] {strides = array<i32>} : memref<16x5000xf32, #tpu.memory_space<vmem>>, vector<1x16xf32>,
        %get3A_588 = vector.shape_cast %get3A_587 : vector<1x16xf32> to vector<16xf32>
        %add3A_589 = arith.addf %add3A_583, %get3A_588 : vector<16xf32>
        %get3A_590 = arith.constant 4 : i32
        %get3A_591 = arith.index_cast %get3A_590 : i32 to index
        %get3A_592 = arith.index_cast %multiple_of3A : i32 to index
        %get3A_593 = tpu.vector_load %arg6[%get3A_591, %get3A_592] {strides = array<i32>} : memref<16x5000xf32, #tpu.memory_space<vmem>>, vector<1x16xf32>,
        %get3A_594 = vector.shape_cast %get3A_593 : vector<1x16xf32> to vector<16xf32>
        %add3A_595 = arith.addf %add3A_589, %get3A_594 : vector<16xf32>
        %get3A_596 = arith.constant 5 : i32
        %get3A_597 = arith.index_cast %get3A_596 : i32 to index
        %get3A_598 = arith.index_cast %multiple_of3A : i32 to index
        %get3A_599 = tpu.vector_load %arg6[%get3A_597, %get3A_598] {strides = array<i32>} : memref<16x5000xf32, #tpu.memory_space<vmem>>, vector<1x16xf32>,
        %get3A_600 = vector.shape_cast %get3A_599 : vector<1x16xf32> to vector<16xf32>
        %add3A_601 = arith.addf %add3A_595, %get3A_600 : vector<16xf32>
        %get3A_602 = arith.constant 6 : i32
        %get3A_603 = arith.index_cast %get3A_602 : i32 to index
        %get3A_604 = arith.index_cast %multiple_of3A : i32 to index
        %get3A_605 = tpu.vector_load %arg6[%get3A_603, %get3A_604] {strides = array<i32>} : memref<16x5000xf32, #tpu.memory_space<vmem>>, vector<1x16xf32>,
        %get3A_606 = vector.shape_cast %get3A_605 : vector<1x16xf32> to vector<16xf32>
        %add3A_607 = arith.addf %add3A_601, %get3A_606 : vector<16xf32>
        %get3A_608 = arith.constant 7 : i32
        %get3A_609 = arith.index_cast %get3A_608 : i32 to index
        %get3A_610 = arith.index_cast %multiple_of3A : i32 to index
        %get3A_611 = tpu.vector_load %arg6[%get3A_609, %get3A_610] {strides = array<i32>} : memref<16x5000xf32, #tpu.memory_space<vmem>>, vector<1x16xf32>,
        %get3A_612 = vector.shape_cast %get3A_611 : vector<1x16xf32> to vector<16xf32>
        %add3A_613 = arith.addf %add3A_607, %get3A_612 : vector<16xf32>
        %get3A_614 = arith.constant 8 : i32
        %get3A_615 = arith.index_cast %get3A_614 : i32 to index
        %get3A_616 = arith.index_cast %multiple_of3A : i32 to index
        %get3A_617 = tpu.vector_load %arg6[%get3A_615, %get3A_616] {strides = array<i32>} : memref<16x5000xf32, #tpu.memory_space<vmem>>, vector<1x16xf32>,
        %get3A_618 = vector.shape_cast %get3A_617 : vector<1x16xf32> to vector<16xf32>
        %add3A_619 = arith.addf %add3A_613, %get3A_618 : vector<16xf32>
        %get3A_620 = arith.constant 9 : i32
        %get3A_621 = arith.index_cast %get3A_620 : i32 to index
        %get3A_622 = arith.index_cast %multiple_of3A : i32 to index
        %get3A_623 = tpu.vector_load %arg6[%get3A_621, %get3A_622] {strides = array<i32>} : memref<16x5000xf32, #tpu.memory_space<vmem>>, vector<1x16xf32>,
        %get3A_624 = vector.shape_cast %get3A_623 : vector<1x16xf32> to vector<16xf32>
        %add3A_625 = arith.addf %add3A_619, %get3A_624 : vector<16xf32>
        %get3A_626 = arith.constant 10 : i32
        %get3A_627 = arith.index_cast %get3A_626 : i32 to index
        %get3A_628 = arith.index_cast %multiple_of3A : i32 to index
        %get3A_629 = tpu.vector_load %arg6[%get3A_627, %get3A_628] {strides = array<i32>} : memref<16x5000xf32, #tpu.memory_space<vmem>>, vector<1x16xf32>,
        %get3A_630 = vector.shape_cast %get3A_629 : vector<1x16xf32> to vector<16xf32>
        %add3A_631 = arith.addf %add3A_625, %get3A_630 : vector<16xf32>
        %get3A_632 = arith.constant 11 : i32
        %get3A_633 = arith.index_cast %get3A_632 : i32 to index
        %get3A_634 = arith.index_cast %multiple_of3A : i32 to index
        %get3A_635 = tpu.vector_load %arg6[%get3A_633, %get3A_634] {strides = array<i32>} : memref<16x5000xf32, #tpu.memory_space<vmem>>, vector<1x16xf32>,
        %get3A_636 = vector.shape_cast %get3A_635 : vector<1x16xf32> to vector<16xf32>
        %add3A_637 = arith.addf %add3A_631, %get3A_636 : vector<16xf32>
        %get3A_638 = arith.constant 12 : i32
        %get3A_639 = arith.index_cast %get3A_638 : i32 to index
        %get3A_640 = arith.index_cast %multiple_of3A : i32 to index
        %get3A_641 = tpu.vector_load %arg6[%get3A_639, %get3A_640] {strides = array<i32>} : memref<16x5000xf32, #tpu.memory_space<vmem>>, vector<1x16xf32>,
        %get3A_642 = vector.shape_cast %get3A_641 : vector<1x16xf32> to vector<16xf32>
        %add3A_643 = arith.addf %add3A_637, %get3A_642 : vector<16xf32>
        %get3A_644 = arith.constant 13 : i32
        %get3A_645 = arith.index_cast %get3A_644 : i32 to index
        %get3A_646 = arith.index_cast %multiple_of3A : i32 to index
        %get3A_647 = tpu.vector_load %arg6[%get3A_645, %get3A_646] {strides = array<i32>} : memref<16x5000xf32, #tpu.memory_space<vmem>>, vector<1x16xf32>,
        %get3A_648 = vector.shape_cast %get3A_647 : vector<1x16xf32> to vector<16xf32>
        %add3A_649 = arith.addf %add3A_643, %get3A_648 : vector<16xf32>
        %get3A_650 = arith.constant 14 : i32
        %get3A_651 = arith.index_cast %get3A_650 : i32 to index
        %get3A_652 = arith.index_cast %multiple_of3A : i32 to index
        %get3A_653 = tpu.vector_load %arg6[%get3A_651, %get3A_652] {strides = array<i32>} : memref<16x5000xf32, #tpu.memory_space<vmem>>, vector<1x16xf32>,
        %get3A_654 = vector.shape_cast %get3A_653 : vector<1x16xf32> to vector<16xf32>
        %add3A_655 = arith.addf %add3A_649, %get3A_654 : vector<16xf32>
        %get3A_656 = arith.constant 15 : i32
        %get3A_657 = arith.index_cast %get3A_656 : i32 to index
        %get3A_658 = arith.index_cast %multiple_of3A : i32 to index
        %get3A_659 = tpu.vector_load %arg6[%get3A_657, %get3A_658] {strides = array<i32>} : memref<16x5000xf32, #tpu.memory_space<vmem>>, vector<1x16xf32>,
        %get3A_660 = vector.shape_cast %get3A_659 : vector<1x16xf32> to vector<16xf32>
        %add3A_661 = arith.addf %add3A_655, %get3A_660 : vector<16xf32>
        %swap3A_662 = arith.index_cast %multiple_of3A : i32 to index
        %swap3A_663 = tpu.vector_load %arg7[%swap3A_662] {strides = array<i32>} : memref<5000xf32, #tpu.memory_space<vmem>>, vector<16xf32>,
        %swap3A_664 = vector.shape_cast %swap3A_663 : vector<16xf32> to vector<16xf32>
        %swap3A_665 = vector.shape_cast %add3A_661 : vector<16xf32> to vector<16xf32>
        tpu.vector_store %arg7[%swap3A_662], %swap3A_665 {strides = array<i32>} : memref<5000xf32, #tpu.memory_space<vmem>>, vector<16xf32>,
      }
      %scan3A_459 = arith.constant 312 : i32
      %get3A_460 = arith.constant 4984 : index
      %get3A_461 = tpu.vector_load %arg7[%get3A_460] {strides = array<i32>} : memref<5000xf32, #tpu.memory_space<vmem>>, vector<16xf32>,
      %get3A_462 = vector.shape_cast %get3A_461 : vector<16xf32> to vector<16xf32>
      %get3A_463 = arith.constant 0 : i32
      %get3A_464 = arith.index_cast %get3A_463 : i32 to index
      %get3A_465 = arith.constant 4984 : index
      %get3A_466 = tpu.vector_load %arg6[%get3A_464, %get3A_465] {strides = array<i32>} : memref<16x5000xf32, #tpu.memory_space<vmem>>, vector<1x16xf32>,
      %get3A_467 = vector.shape_cast %get3A_466 : vector<1x16xf32> to vector<16xf32>
      %get3A_468 = arith.constant 1 : i32
      %get3A_469 = arith.index_cast %get3A_468 : i32 to index
      %get3A_470 = arith.constant 4984 : index
      %get3A_471 = tpu.vector_load %arg6[%get3A_469, %get3A_470] {strides = array<i32>} : memref<16x5000xf32, #tpu.memory_space<vmem>>, vector<1x16xf32>,
      %get3A_472 = vector.shape_cast %get3A_471 : vector<1x16xf32> to vector<16xf32>
      %add3A_473 = arith.addf %get3A_467, %get3A_472 : vector<16xf32>
      %get3A_474 = arith.constant 2 : i32
      %get3A_475 = arith.index_cast %get3A_474 : i32 to index
      %get3A_476 = arith.constant 4984 : index
      %get3A_477 = tpu.vector_load %arg6[%get3A_475, %get3A_476] {strides = array<i32>} : memref<16x5000xf32, #tpu.memory_space<vmem>>, vector<1x16xf32>,
      %get3A_478 = vector.shape_cast %get3A_477 : vector<1x16xf32> to vector<16xf32>
      %add3A_479 = arith.addf %add3A_473, %get3A_478 : vector<16xf32>
      %get3A_480 = arith.constant 3 : i32
      %get3A_481 = arith.index_cast %get3A_480 : i32 to index
      %get3A_482 = arith.constant 4984 : index
      %get3A_483 = tpu.vector_load %arg6[%get3A_481, %get3A_482] {strides = array<i32>} : memref<16x5000xf32, #tpu.memory_space<vmem>>, vector<1x16xf32>,
      %get3A_484 = vector.shape_cast %get3A_483 : vector<1x16xf32> to vector<16xf32>
      %add3A_485 = arith.addf %add3A_479, %get3A_484 : vector<16xf32>
      %get3A_486 = arith.constant 4 : i32
      %get3A_487 = arith.index_cast %get3A_486 : i32 to index
      %get3A_488 = arith.constant 4984 : index
      %get3A_489 = tpu.vector_load %arg6[%get3A_487, %get3A_488] {strides = array<i32>} : memref<16x5000xf32, #tpu.memory_space<vmem>>, vector<1x16xf32>,
      %get3A_490 = vector.shape_cast %get3A_489 : vector<1x16xf32> to vector<16xf32>
      %add3A_491 = arith.addf %add3A_485, %get3A_490 : vector<16xf32>
      %get3A_492 = arith.constant 5 : i32
      %get3A_493 = arith.index_cast %get3A_492 : i32 to index
      %get3A_494 = arith.constant 4984 : index
      %get3A_495 = tpu.vector_load %arg6[%get3A_493, %get3A_494] {strides = array<i32>} : memref<16x5000xf32, #tpu.memory_space<vmem>>, vector<1x16xf32>,
      %get3A_496 = vector.shape_cast %get3A_495 : vector<1x16xf32> to vector<16xf32>
      %add3A_497 = arith.addf %add3A_491, %get3A_496 : vector<16xf32>
      %get3A_498 = arith.constant 6 : i32
      %get3A_499 = arith.index_cast %get3A_498 : i32 to index
      %get3A_500 = arith.constant 4984 : index
      %get3A_501 = tpu.vector_load %arg6[%get3A_499, %get3A_500] {strides = array<i32>} : memref<16x5000xf32, #tpu.memory_space<vmem>>, vector<1x16xf32>,
      %get3A_502 = vector.shape_cast %get3A_501 : vector<1x16xf32> to vector<16xf32>
      %add3A_503 = arith.addf %add3A_497, %get3A_502 : vector<16xf32>
      %get3A_504 = arith.constant 7 : i32
      %get3A_505 = arith.index_cast %get3A_504 : i32 to index
      %get3A_506 = arith.constant 4984 : index
      %get3A_507 = tpu.vector_load %arg6[%get3A_505, %get3A_506] {strides = array<i32>} : memref<16x5000xf32, #tpu.memory_space<vmem>>, vector<1x16xf32>,
      %get3A_508 = vector.shape_cast %get3A_507 : vector<1x16xf32> to vector<16xf32>
      %add3A_509 = arith.addf %add3A_503, %get3A_508 : vector<16xf32>
      %get3A_510 = arith.constant 8 : i32
      %get3A_511 = arith.index_cast %get3A_510 : i32 to index
      %get3A_512 = arith.constant 4984 : index
      %get3A_513 = tpu.vector_load %arg6[%get3A_511, %get3A_512] {strides = array<i32>} : memref<16x5000xf32, #tpu.memory_space<vmem>>, vector<1x16xf32>,
      %get3A_514 = vector.shape_cast %get3A_513 : vector<1x16xf32> to vector<16xf32>
      %add3A_515 = arith.addf %add3A_509, %get3A_514 : vector<16xf32>
      %get3A_516 = arith.constant 9 : i32
      %get3A_517 = arith.index_cast %get3A_516 : i32 to index
      %get3A_518 = arith.constant 4984 : index
      %get3A_519 = tpu.vector_load %arg6[%get3A_517, %get3A_518] {strides = array<i32>} : memref<16x5000xf32, #tpu.memory_space<vmem>>, vector<1x16xf32>,
      %get3A_520 = vector.shape_cast %get3A_519 : vector<1x16xf32> to vector<16xf32>
      %add3A_521 = arith.addf %add3A_515, %get3A_520 : vector<16xf32>
      %get3A_522 = arith.constant 10 : i32
      %get3A_523 = arith.index_cast %get3A_522 : i32 to index
      %get3A_524 = arith.constant 4984 : index
      %get3A_525 = tpu.vector_load %arg6[%get3A_523, %get3A_524] {strides = array<i32>} : memref<16x5000xf32, #tpu.memory_space<vmem>>, vector<1x16xf32>,
      %get3A_526 = vector.shape_cast %get3A_525 : vector<1x16xf32> to vector<16xf32>
      %add3A_527 = arith.addf %add3A_521, %get3A_526 : vector<16xf32>
      %get3A_528 = arith.constant 11 : i32
      %get3A_529 = arith.index_cast %get3A_528 : i32 to index
      %get3A_530 = arith.constant 4984 : index
      %get3A_531 = tpu.vector_load %arg6[%get3A_529, %get3A_530] {strides = array<i32>} : memref<16x5000xf32, #tpu.memory_space<vmem>>, vector<1x16xf32>,
      %get3A_532 = vector.shape_cast %get3A_531 : vector<1x16xf32> to vector<16xf32>
      %add3A_533 = arith.addf %add3A_527, %get3A_532 : vector<16xf32>
      %get3A_534 = arith.constant 12 : i32
      %get3A_535 = arith.index_cast %get3A_534 : i32 to index
      %get3A_536 = arith.constant 4984 : index
      %get3A_537 = tpu.vector_load %arg6[%get3A_535, %get3A_536] {strides = array<i32>} : memref<16x5000xf32, #tpu.memory_space<vmem>>, vector<1x16xf32>,
      %get3A_538 = vector.shape_cast %get3A_537 : vector<1x16xf32> to vector<16xf32>
      %add3A_539 = arith.addf %add3A_533, %get3A_538 : vector<16xf32>
      %get3A_540 = arith.constant 13 : i32
      %get3A_541 = arith.index_cast %get3A_540 : i32 to index
      %get3A_542 = arith.constant 4984 : index
      %get3A_543 = tpu.vector_load %arg6[%get3A_541, %get3A_542] {strides = array<i32>} : memref<16x5000xf32, #tpu.memory_space<vmem>>, vector<1x16xf32>,
      %get3A_544 = vector.shape_cast %get3A_543 : vector<1x16xf32> to vector<16xf32>
      %add3A_545 = arith.addf %add3A_539, %get3A_544 : vector<16xf32>
      %get3A_546 = arith.constant 14 : i32
      %get3A_547 = arith.index_cast %get3A_546 : i32 to index
      %get3A_548 = arith.constant 4984 : index
      %get3A_549 = tpu.vector_load %arg6[%get3A_547, %get3A_548] {strides = array<i32>} : memref<16x5000xf32, #tpu.memory_space<vmem>>, vector<1x16xf32>,
      %get3A_550 = vector.shape_cast %get3A_549 : vector<1x16xf32> to vector<16xf32>
      %add3A_551 = arith.addf %add3A_545, %get3A_550 : vector<16xf32>
      %get3A_552 = arith.constant 15 : i32
      %get3A_553 = arith.index_cast %get3A_552 : i32 to index
      %get3A_554 = arith.constant 4984 : index
      %get3A_555 = tpu.vector_load %arg6[%get3A_553, %get3A_554] {strides = array<i32>} : memref<16x5000xf32, #tpu.memory_space<vmem>>, vector<1x16xf32>,
      %get3A_556 = vector.shape_cast %get3A_555 : vector<1x16xf32> to vector<16xf32>
      %add3A_557 = arith.addf %add3A_551, %get3A_556 : vector<16xf32>
      %iota3A = tpu.iota {dimensions = array<i32: 0>} : vector<16xi32>
      %lt3A_558 = arith.constant 8 : i32
      %lt3A_559 = vector.broadcast %lt3A_558 : i32 to vector<16xi32>
      %lt3A_560 = arith.cmpi slt, %iota3A, %lt3A_559 : vector<16xi32>
      %select_n3A = arith.select %lt3A_560, %get3A_462, %add3A_557 : vector<16xi1>, vector<16xf32>
      %swap3A = arith.constant 4984 : index
      %swap3A_561 = tpu.vector_load %arg7[%swap3A] {strides = array<i32>} : memref<5000xf32, #tpu.memory_space<vmem>>, vector<16xf32>,
      %swap3A_562 = vector.shape_cast %swap3A_561 : vector<16xf32> to vector<16xf32>
      %swap3A_563 = vector.shape_cast %select_n3A : vector<16xf32> to vector<16xf32>
      tpu.vector_store %arg7[%swap3A], %swap3A_563 {strides = array<i32>} : memref<5000xf32, #tpu.memory_space<vmem>>, vector<16xf32>,
    } else {
    }
    %eq3A = arith.constant 31 : i32
    %eq3A_7 = arith.cmpi eq, %add3A, %eq3A : i32
    %convert_element_type3A_8 = arith.extui %eq3A_7 : i1 to i32
    %cond3A_9 = arith.constant 0 : i32
    %cond3A_10 = arith.cmpi ne, %convert_element_type3A_8, %cond3A_9 : i32
    scf.if %cond3A_10 {
      %slice3A = vector.extract_strided_slice %get3A_4 {offsets = [0], sizes = [1], strides = [1]} : vector<16xi32> to vector<1xi32>
      %squeeze3A = vector.extract %slice3A[0] : i32 from vector<1xi32>
      %dma_start3A = arith.constant 0 : i32
      %dma_start3A_11 = arith.constant 0 : i32
      %dma_start3A_12 = tpu.memref_slice %arg6[%dma_start3A, %dma_start3A_11] : memref<16x5000xf32, #tpu.memory_space<vmem>> -> memref<1x5000xf32, #tpu.memory_space<vmem>>
      %dma_start3A_13 = tpu.memref_squeeze %dma_start3A_12 : memref<1x5000xf32, #tpu.memory_space<vmem>> -> memref<5000xf32, #tpu.memory_space<vmem>>
      %dma_start3A_14 = arith.constant 0 : i32
      %dma_start3A_15 = tpu.memref_slice %arg2[%squeeze3A, %dma_start3A_14] : memref<10000x5000xf32, #tpu.memory_space<hbm>> -> memref<1x5000xf32, #tpu.memory_space<hbm>>
      %dma_start3A_16 = tpu.memref_squeeze %dma_start3A_15 : memref<1x5000xf32, #tpu.memory_space<hbm>> -> memref<5000xf32, #tpu.memory_space<hbm>>
      %dma_start3A_17 = arith.constant 0 : i32
      %dma_start3A_18 = tpu.memref_slice %arg6[%dma_start3A, %dma_start3A_17] : memref<16x5000xf32, #tpu.memory_space<vmem>> -> memref<1x5000xf32, #tpu.memory_space<vmem>>
      %dma_start3A_19 = tpu.memref_squeeze %dma_start3A_18 : memref<1x5000xf32, #tpu.memory_space<vmem>> -> memref<5000xf32, #tpu.memory_space<vmem>>
      %dma_start3A_20 = arith.constant 0 : i32
      %dma_start3A_21 = tpu.memref_slice %arg2[%squeeze3A, %dma_start3A_20] : memref<10000x5000xf32, #tpu.memory_space<hbm>> -> memref<1x5000xf32, #tpu.memory_space<hbm>>
      %dma_start3A_22 = tpu.memref_squeeze %dma_start3A_21 : memref<1x5000xf32, #tpu.memory_space<hbm>> -> memref<5000xf32, #tpu.memory_space<hbm>>
      tpu.enqueue_dma source(%dma_start3A_22 : memref<5000xf32, #tpu.memory_space<hbm>>) target(%dma_start3A_19 : memref<5000xf32, #tpu.memory_space<vmem>>) target_semaphore(%arg8 : memref<!tpu.dma_semaphore, #tpu.memory_space<semaphore_mem>>)
      %slice3A_23 = vector.extract_strided_slice %get3A_4 {offsets = [1], sizes = [1], strides = [1]} : vector<16xi32> to vector<1xi32>
      %squeeze3A_24 = vector.extract %slice3A_23[0] : i32 from vector<1xi32>
      %dma_start3A_25 = arith.constant 1 : i32
      %dma_start3A_26 = arith.constant 0 : i32
      %dma_start3A_27 = tpu.memref_slice %arg6[%dma_start3A_25, %dma_start3A_26] : memref<16x5000xf32, #tpu.memory_space<vmem>> -> memref<1x5000xf32, #tpu.memory_space<vmem>>
      %dma_start3A_28 = tpu.memref_squeeze %dma_start3A_27 : memref<1x5000xf32, #tpu.memory_space<vmem>> -> memref<5000xf32, #tpu.memory_space<vmem>>
      %dma_start3A_29 = arith.constant 0 : i32
      %dma_start3A_30 = tpu.memref_slice %arg2[%squeeze3A_24, %dma_start3A_29] : memref<10000x5000xf32, #tpu.memory_space<hbm>> -> memref<1x5000xf32, #tpu.memory_space<hbm>>
      %dma_start3A_31 = tpu.memref_squeeze %dma_start3A_30 : memref<1x5000xf32, #tpu.memory_space<hbm>> -> memref<5000xf32, #tpu.memory_space<hbm>>
      %dma_start3A_32 = arith.constant 0 : i32
      %dma_start3A_33 = tpu.memref_slice %arg6[%dma_start3A_25, %dma_start3A_32] : memref<16x5000xf32, #tpu.memory_space<vmem>> -> memref<1x5000xf32, #tpu.memory_space<vmem>>
      %dma_start3A_34 = tpu.memref_squeeze %dma_start3A_33 : memref<1x5000xf32, #tpu.memory_space<vmem>> -> memref<5000xf32, #tpu.memory_space<vmem>>
      %dma_start3A_35 = arith.constant 0 : i32
      %dma_start3A_36 = tpu.memref_slice %arg2[%squeeze3A_24, %dma_start3A_35] : memref<10000x5000xf32, #tpu.memory_space<hbm>> -> memref<1x5000xf32, #tpu.memory_space<hbm>>
      %dma_start3A_37 = tpu.memref_squeeze %dma_start3A_36 : memref<1x5000xf32, #tpu.memory_space<hbm>> -> memref<5000xf32, #tpu.memory_space<hbm>>
      tpu.enqueue_dma source(%dma_start3A_37 : memref<5000xf32, #tpu.memory_space<hbm>>) target(%dma_start3A_34 : memref<5000xf32, #tpu.memory_space<vmem>>) target_semaphore(%arg8 : memref<!tpu.dma_semaphore, #tpu.memory_space<semaphore_mem>>)
      %slice3A_38 = vector.extract_strided_slice %get3A_4 {offsets = [2], sizes = [1], strides = [1]} : vector<16xi32> to vector<1xi32>
      %squeeze3A_39 = vector.extract %slice3A_38[0] : i32 from vector<1xi32>
      %dma_start3A_40 = arith.constant 2 : i32
      %dma_start3A_41 = arith.constant 0 : i32
      %dma_start3A_42 = tpu.memref_slice %arg6[%dma_start3A_40, %dma_start3A_41] : memref<16x5000xf32, #tpu.memory_space<vmem>> -> memref<1x5000xf32, #tpu.memory_space<vmem>>
      %dma_start3A_43 = tpu.memref_squeeze %dma_start3A_42 : memref<1x5000xf32, #tpu.memory_space<vmem>> -> memref<5000xf32, #tpu.memory_space<vmem>>
      %dma_start3A_44 = arith.constant 0 : i32
      %dma_start3A_45 = tpu.memref_slice %arg2[%squeeze3A_39, %dma_start3A_44] : memref<10000x5000xf32, #tpu.memory_space<hbm>> -> memref<1x5000xf32, #tpu.memory_space<hbm>>
      %dma_start3A_46 = tpu.memref_squeeze %dma_start3A_45 : memref<1x5000xf32, #tpu.memory_space<hbm>> -> memref<5000xf32, #tpu.memory_space<hbm>>
      %dma_start3A_47 = arith.constant 0 : i32
      %dma_start3A_48 = tpu.memref_slice %arg6[%dma_start3A_40, %dma_start3A_47] : memref<16x5000xf32, #tpu.memory_space<vmem>> -> memref<1x5000xf32, #tpu.memory_space<vmem>>
      %dma_start3A_49 = tpu.memref_squeeze %dma_start3A_48 : memref<1x5000xf32, #tpu.memory_space<vmem>> -> memref<5000xf32, #tpu.memory_space<vmem>>
      %dma_start3A_50 = arith.constant 0 : i32
      %dma_start3A_51 = tpu.memref_slice %arg2[%squeeze3A_39, %dma_start3A_50] : memref<10000x5000xf32, #tpu.memory_space<hbm>> -> memref<1x5000xf32, #tpu.memory_space<hbm>>
      %dma_start3A_52 = tpu.memref_squeeze %dma_start3A_51 : memref<1x5000xf32, #tpu.memory_space<hbm>> -> memref<5000xf32, #tpu.memory_space<hbm>>
      tpu.enqueue_dma source(%dma_start3A_52 : memref<5000xf32, #tpu.memory_space<hbm>>) target(%dma_start3A_49 : memref<5000xf32, #tpu.memory_space<vmem>>) target_semaphore(%arg8 : memref<!tpu.dma_semaphore, #tpu.memory_space<semaphore_mem>>)
      %slice3A_53 = vector.extract_strided_slice %get3A_4 {offsets = [3], sizes = [1], strides = [1]} : vector<16xi32> to vector<1xi32>
      %squeeze3A_54 = vector.extract %slice3A_53[0] : i32 from vector<1xi32>
      %dma_start3A_55 = arith.constant 3 : i32
      %dma_start3A_56 = arith.constant 0 : i32
      %dma_start3A_57 = tpu.memref_slice %arg6[%dma_start3A_55, %dma_start3A_56] : memref<16x5000xf32, #tpu.memory_space<vmem>> -> memref<1x5000xf32, #tpu.memory_space<vmem>>
      %dma_start3A_58 = tpu.memref_squeeze %dma_start3A_57 : memref<1x5000xf32, #tpu.memory_space<vmem>> -> memref<5000xf32, #tpu.memory_space<vmem>>
      %dma_start3A_59 = arith.constant 0 : i32
      %dma_start3A_60 = tpu.memref_slice %arg2[%squeeze3A_54, %dma_start3A_59] : memref<10000x5000xf32, #tpu.memory_space<hbm>> -> memref<1x5000xf32, #tpu.memory_space<hbm>>
      %dma_start3A_61 = tpu.memref_squeeze %dma_start3A_60 : memref<1x5000xf32, #tpu.memory_space<hbm>> -> memref<5000xf32, #tpu.memory_space<hbm>>
      %dma_start3A_62 = arith.constant 0 : i32
      %dma_start3A_63 = tpu.memref_slice %arg6[%dma_start3A_55, %dma_start3A_62] : memref<16x5000xf32, #tpu.memory_space<vmem>> -> memref<1x5000xf32, #tpu.memory_space<vmem>>
      %dma_start3A_64 = tpu.memref_squeeze %dma_start3A_63 : memref<1x5000xf32, #tpu.memory_space<vmem>> -> memref<5000xf32, #tpu.memory_space<vmem>>
      %dma_start3A_65 = arith.constant 0 : i32
      %dma_start3A_66 = tpu.memref_slice %arg2[%squeeze3A_54, %dma_start3A_65] : memref<10000x5000xf32, #tpu.memory_space<hbm>> -> memref<1x5000xf32, #tpu.memory_space<hbm>>
      %dma_start3A_67 = tpu.memref_squeeze %dma_start3A_66 : memref<1x5000xf32, #tpu.memory_space<hbm>> -> memref<5000xf32, #tpu.memory_space<hbm>>
      tpu.enqueue_dma source(%dma_start3A_67 : memref<5000xf32, #tpu.memory_space<hbm>>) target(%dma_start3A_64 : memref<5000xf32, #tpu.memory_space<vmem>>) target_semaphore(%arg8 : memref<!tpu.dma_semaphore, #tpu.memory_space<semaphore_mem>>)
      %dma_wait3A = arith.constant 0 : i32
      %dma_wait3A_68 = arith.constant 0 : i32
      %dma_wait3A_69 = tpu.memref_slice %arg6[%dma_wait3A, %dma_wait3A_68] : memref<16x5000xf32, #tpu.memory_space<vmem>> -> memref<1x5000xf32, #tpu.memory_space<vmem>>
      %dma_wait3A_70 = tpu.memref_squeeze %dma_wait3A_69 : memref<1x5000xf32, #tpu.memory_space<vmem>> -> memref<5000xf32, #tpu.memory_space<vmem>>
      %dma_wait3A_71 = arith.constant 0 : i32
      %dma_wait3A_72 = tpu.memref_slice %arg2[%squeeze3A, %dma_wait3A_71] : memref<10000x5000xf32, #tpu.memory_space<hbm>> -> memref<1x5000xf32, #tpu.memory_space<hbm>>
      %dma_wait3A_73 = tpu.memref_squeeze %dma_wait3A_72 : memref<1x5000xf32, #tpu.memory_space<hbm>> -> memref<5000xf32, #tpu.memory_space<hbm>>
      %dma_wait3A_74 = arith.constant 0 : i32
      %dma_wait3A_75 = tpu.memref_slice %arg6[%dma_wait3A, %dma_wait3A_74] : memref<16x5000xf32, #tpu.memory_space<vmem>> -> memref<1x5000xf32, #tpu.memory_space<vmem>>
      %dma_wait3A_76 = tpu.memref_squeeze %dma_wait3A_75 : memref<1x5000xf32, #tpu.memory_space<vmem>> -> memref<5000xf32, #tpu.memory_space<vmem>>
      %dma_wait3A_77 = arith.constant 0 : i32
      %dma_wait3A_78 = tpu.memref_slice %arg2[%squeeze3A, %dma_wait3A_77] : memref<10000x5000xf32, #tpu.memory_space<hbm>> -> memref<1x5000xf32, #tpu.memory_space<hbm>>
      %dma_wait3A_79 = tpu.memref_squeeze %dma_wait3A_78 : memref<1x5000xf32, #tpu.memory_space<hbm>> -> memref<5000xf32, #tpu.memory_space<hbm>>
      tpu.wait_dma2 semaphore(%arg8 : memref<!tpu.dma_semaphore, #tpu.memory_space<semaphore_mem>>) src(%dma_wait3A_79 : memref<5000xf32, #tpu.memory_space<hbm>>) dst(%dma_wait3A_76 : memref<5000xf32, #tpu.memory_space<vmem>>)
      %dma_wait3A_80 = arith.constant 1 : i32
      %dma_wait3A_81 = arith.constant 0 : i32
      %dma_wait3A_82 = tpu.memref_slice %arg6[%dma_wait3A_80, %dma_wait3A_81] : memref<16x5000xf32, #tpu.memory_space<vmem>> -> memref<1x5000xf32, #tpu.memory_space<vmem>>
      %dma_wait3A_83 = tpu.memref_squeeze %dma_wait3A_82 : memref<1x5000xf32, #tpu.memory_space<vmem>> -> memref<5000xf32, #tpu.memory_space<vmem>>
      %dma_wait3A_84 = arith.constant 0 : i32
      %dma_wait3A_85 = tpu.memref_slice %arg2[%squeeze3A_24, %dma_wait3A_84] : memref<10000x5000xf32, #tpu.memory_space<hbm>> -> memref<1x5000xf32, #tpu.memory_space<hbm>>
      %dma_wait3A_86 = tpu.memref_squeeze %dma_wait3A_85 : memref<1x5000xf32, #tpu.memory_space<hbm>> -> memref<5000xf32, #tpu.memory_space<hbm>>
      %dma_wait3A_87 = arith.constant 0 : i32
      %dma_wait3A_88 = tpu.memref_slice %arg6[%dma_wait3A_80, %dma_wait3A_87] : memref<16x5000xf32, #tpu.memory_space<vmem>> -> memref<1x5000xf32, #tpu.memory_space<vmem>>
      %dma_wait3A_89 = tpu.memref_squeeze %dma_wait3A_88 : memref<1x5000xf32, #tpu.memory_space<vmem>> -> memref<5000xf32, #tpu.memory_space<vmem>>
      %dma_wait3A_90 = arith.constant 0 : i32
      %dma_wait3A_91 = tpu.memref_slice %arg2[%squeeze3A_24, %dma_wait3A_90] : memref<10000x5000xf32, #tpu.memory_space<hbm>> -> memref<1x5000xf32, #tpu.memory_space<hbm>>
      %dma_wait3A_92 = tpu.memref_squeeze %dma_wait3A_91 : memref<1x5000xf32, #tpu.memory_space<hbm>> -> memref<5000xf32, #tpu.memory_space<hbm>>
      tpu.wait_dma2 semaphore(%arg8 : memref<!tpu.dma_semaphore, #tpu.memory_space<semaphore_mem>>) src(%dma_wait3A_92 : memref<5000xf32, #tpu.memory_space<hbm>>) dst(%dma_wait3A_89 : memref<5000xf32, #tpu.memory_space<vmem>>)
      %dma_wait3A_93 = arith.constant 2 : i32
      %dma_wait3A_94 = arith.constant 0 : i32
      %dma_wait3A_95 = tpu.memref_slice %arg6[%dma_wait3A_93, %dma_wait3A_94] : memref<16x5000xf32, #tpu.memory_space<vmem>> -> memref<1x5000xf32, #tpu.memory_space<vmem>>
      %dma_wait3A_96 = tpu.memref_squeeze %dma_wait3A_95 : memref<1x5000xf32, #tpu.memory_space<vmem>> -> memref<5000xf32, #tpu.memory_space<vmem>>
      %dma_wait3A_97 = arith.constant 0 : i32
      %dma_wait3A_98 = tpu.memref_slice %arg2[%squeeze3A_39, %dma_wait3A_97] : memref<10000x5000xf32, #tpu.memory_space<hbm>> -> memref<1x5000xf32, #tpu.memory_space<hbm>>
      %dma_wait3A_99 = tpu.memref_squeeze %dma_wait3A_98 : memref<1x5000xf32, #tpu.memory_space<hbm>> -> memref<5000xf32, #tpu.memory_space<hbm>>
      %dma_wait3A_100 = arith.constant 0 : i32
      %dma_wait3A_101 = tpu.memref_slice %arg6[%dma_wait3A_93, %dma_wait3A_100] : memref<16x5000xf32, #tpu.memory_space<vmem>> -> memref<1x5000xf32, #tpu.memory_space<vmem>>
      %dma_wait3A_102 = tpu.memref_squeeze %dma_wait3A_101 : memref<1x5000xf32, #tpu.memory_space<vmem>> -> memref<5000xf32, #tpu.memory_space<vmem>>
      %dma_wait3A_103 = arith.constant 0 : i32
      %dma_wait3A_104 = tpu.memref_slice %arg2[%squeeze3A_39, %dma_wait3A_103] : memref<10000x5000xf32, #tpu.memory_space<hbm>> -> memref<1x5000xf32, #tpu.memory_space<hbm>>
      %dma_wait3A_105 = tpu.memref_squeeze %dma_wait3A_104 : memref<1x5000xf32, #tpu.memory_space<hbm>> -> memref<5000xf32, #tpu.memory_space<hbm>>
      tpu.wait_dma2 semaphore(%arg8 : memref<!tpu.dma_semaphore, #tpu.memory_space<semaphore_mem>>) src(%dma_wait3A_105 : memref<5000xf32, #tpu.memory_space<hbm>>) dst(%dma_wait3A_102 : memref<5000xf32, #tpu.memory_space<vmem>>)
      %dma_wait3A_106 = arith.constant 3 : i32
      %dma_wait3A_107 = arith.constant 0 : i32
      %dma_wait3A_108 = tpu.memref_slice %arg6[%dma_wait3A_106, %dma_wait3A_107] : memref<16x5000xf32, #tpu.memory_space<vmem>> -> memref<1x5000xf32, #tpu.memory_space<vmem>>
      %dma_wait3A_109 = tpu.memref_squeeze %dma_wait3A_108 : memref<1x5000xf32, #tpu.memory_space<vmem>> -> memref<5000xf32, #tpu.memory_space<vmem>>
      %dma_wait3A_110 = arith.constant 0 : i32
      %dma_wait3A_111 = tpu.memref_slice %arg2[%squeeze3A_54, %dma_wait3A_110] : memref<10000x5000xf32, #tpu.memory_space<hbm>> -> memref<1x5000xf32, #tpu.memory_space<hbm>>
      %dma_wait3A_112 = tpu.memref_squeeze %dma_wait3A_111 : memref<1x5000xf32, #tpu.memory_space<hbm>> -> memref<5000xf32, #tpu.memory_space<hbm>>
      %dma_wait3A_113 = arith.constant 0 : i32
      %dma_wait3A_114 = tpu.memref_slice %arg6[%dma_wait3A_106, %dma_wait3A_113] : memref<16x5000xf32, #tpu.memory_space<vmem>> -> memref<1x5000xf32, #tpu.memory_space<vmem>>
      %dma_wait3A_115 = tpu.memref_squeeze %dma_wait3A_114 : memref<1x5000xf32, #tpu.memory_space<vmem>> -> memref<5000xf32, #tpu.memory_space<vmem>>
      %dma_wait3A_116 = arith.constant 0 : i32
      %dma_wait3A_117 = tpu.memref_slice %arg2[%squeeze3A_54, %dma_wait3A_116] : memref<10000x5000xf32, #tpu.memory_space<hbm>> -> memref<1x5000xf32, #tpu.memory_space<hbm>>
      %dma_wait3A_118 = tpu.memref_squeeze %dma_wait3A_117 : memref<1x5000xf32, #tpu.memory_space<hbm>> -> memref<5000xf32, #tpu.memory_space<hbm>>
      tpu.wait_dma2 semaphore(%arg8 : memref<!tpu.dma_semaphore, #tpu.memory_space<semaphore_mem>>) src(%dma_wait3A_118 : memref<5000xf32, #tpu.memory_space<hbm>>) dst(%dma_wait3A_115 : memref<5000xf32, #tpu.memory_space<vmem>>)
      %scan3A = arith.constant 0 : i32
      %scan3A_119 = arith.constant 0 : i32
      %scan3A_120 = arith.constant 312 : i32
      %scan3A_121 = arith.addi %scan3A_119, %scan3A_120 : i32
      %scan3A_122 = arith.constant 1 : i32
      scf.for %scan3A_156 = %scan3A_119 to %scan3A_121 step %scan3A_122  : i32 {
        %mul3A_157 = arith.constant 16 : i32
        %mul3A_158 = arith.muli %scan3A_156, %mul3A_157 : i32
        %multiple_of3A = tpu.assume_multiple %mul3A_158, 16 : i32
        %get3A_159 = arith.constant 0 : i32
        %get3A_160 = arith.index_cast %get3A_159 : i32 to index
        %get3A_161 = arith.index_cast %multiple_of3A : i32 to index
        %get3A_162 = tpu.vector_load %arg6[%get3A_160, %get3A_161] {strides = array<i32>} : memref<16x5000xf32, #tpu.memory_space<vmem>>, vector<1x16xf32>,
        %get3A_163 = vector.shape_cast %get3A_162 : vector<1x16xf32> to vector<16xf32>
        %get3A_164 = arith.constant 1 : i32
        %get3A_165 = arith.index_cast %get3A_164 : i32 to index
        %get3A_166 = arith.index_cast %multiple_of3A : i32 to index
        %get3A_167 = tpu.vector_load %arg6[%get3A_165, %get3A_166] {strides = array<i32>} : memref<16x5000xf32, #tpu.memory_space<vmem>>, vector<1x16xf32>,
        %get3A_168 = vector.shape_cast %get3A_167 : vector<1x16xf32> to vector<16xf32>
        %add3A_169 = arith.addf %get3A_163, %get3A_168 : vector<16xf32>
        %get3A_170 = arith.constant 2 : i32
        %get3A_171 = arith.index_cast %get3A_170 : i32 to index
        %get3A_172 = arith.index_cast %multiple_of3A : i32 to index
        %get3A_173 = tpu.vector_load %arg6[%get3A_171, %get3A_172] {strides = array<i32>} : memref<16x5000xf32, #tpu.memory_space<vmem>>, vector<1x16xf32>,
        %get3A_174 = vector.shape_cast %get3A_173 : vector<1x16xf32> to vector<16xf32>
        %add3A_175 = arith.addf %add3A_169, %get3A_174 : vector<16xf32>
        %get3A_176 = arith.constant 3 : i32
        %get3A_177 = arith.index_cast %get3A_176 : i32 to index
        %get3A_178 = arith.index_cast %multiple_of3A : i32 to index
        %get3A_179 = tpu.vector_load %arg6[%get3A_177, %get3A_178] {strides = array<i32>} : memref<16x5000xf32, #tpu.memory_space<vmem>>, vector<1x16xf32>,
        %get3A_180 = vector.shape_cast %get3A_179 : vector<1x16xf32> to vector<16xf32>
        %add3A_181 = arith.addf %add3A_175, %get3A_180 : vector<16xf32>
        %swap3A_182 = arith.index_cast %multiple_of3A : i32 to index
        %swap3A_183 = tpu.vector_load %arg7[%swap3A_182] {strides = array<i32>} : memref<5000xf32, #tpu.memory_space<vmem>>, vector<16xf32>,
        %swap3A_184 = vector.shape_cast %swap3A_183 : vector<16xf32> to vector<16xf32>
        %swap3A_185 = vector.shape_cast %add3A_181 : vector<16xf32> to vector<16xf32>
        tpu.vector_store %arg7[%swap3A_182], %swap3A_185 {strides = array<i32>} : memref<5000xf32, #tpu.memory_space<vmem>>, vector<16xf32>,
      }
      %scan3A_123 = arith.constant 312 : i32
      %get3A_124 = arith.constant 4984 : index
      %get3A_125 = tpu.vector_load %arg7[%get3A_124] {strides = array<i32>} : memref<5000xf32, #tpu.memory_space<vmem>>, vector<16xf32>,
      %get3A_126 = vector.shape_cast %get3A_125 : vector<16xf32> to vector<16xf32>
      %get3A_127 = arith.constant 0 : i32
      %get3A_128 = arith.index_cast %get3A_127 : i32 to index
      %get3A_129 = arith.constant 4984 : index
      %get3A_130 = tpu.vector_load %arg6[%get3A_128, %get3A_129] {strides = array<i32>} : memref<16x5000xf32, #tpu.memory_space<vmem>>, vector<1x16xf32>,
      %get3A_131 = vector.shape_cast %get3A_130 : vector<1x16xf32> to vector<16xf32>
      %get3A_132 = arith.constant 1 : i32
      %get3A_133 = arith.index_cast %get3A_132 : i32 to index
      %get3A_134 = arith.constant 4984 : index
      %get3A_135 = tpu.vector_load %arg6[%get3A_133, %get3A_134] {strides = array<i32>} : memref<16x5000xf32, #tpu.memory_space<vmem>>, vector<1x16xf32>,
      %get3A_136 = vector.shape_cast %get3A_135 : vector<1x16xf32> to vector<16xf32>
      %add3A_137 = arith.addf %get3A_131, %get3A_136 : vector<16xf32>
      %get3A_138 = arith.constant 2 : i32
      %get3A_139 = arith.index_cast %get3A_138 : i32 to index
      %get3A_140 = arith.constant 4984 : index
      %get3A_141 = tpu.vector_load %arg6[%get3A_139, %get3A_140] {strides = array<i32>} : memref<16x5000xf32, #tpu.memory_space<vmem>>, vector<1x16xf32>,
      %get3A_142 = vector.shape_cast %get3A_141 : vector<1x16xf32> to vector<16xf32>
      %add3A_143 = arith.addf %add3A_137, %get3A_142 : vector<16xf32>
      %get3A_144 = arith.constant 3 : i32
      %get3A_145 = arith.index_cast %get3A_144 : i32 to index
      %get3A_146 = arith.constant 4984 : index
      %get3A_147 = tpu.vector_load %arg6[%get3A_145, %get3A_146] {strides = array<i32>} : memref<16x5000xf32, #tpu.memory_space<vmem>>, vector<1x16xf32>,
      %get3A_148 = vector.shape_cast %get3A_147 : vector<1x16xf32> to vector<16xf32>
      %add3A_149 = arith.addf %add3A_143, %get3A_148 : vector<16xf32>
      %iota3A = tpu.iota {dimensions = array<i32: 0>} : vector<16xi32>
      %lt3A_150 = arith.constant 8 : i32
      %lt3A_151 = vector.broadcast %lt3A_150 : i32 to vector<16xi32>
      %lt3A_152 = arith.cmpi slt, %iota3A, %lt3A_151 : vector<16xi32>
      %select_n3A = arith.select %lt3A_152, %get3A_126, %add3A_149 : vector<16xi1>, vector<16xf32>
      %swap3A = arith.constant 4984 : index
      %swap3A_153 = tpu.vector_load %arg7[%swap3A] {strides = array<i32>} : memref<5000xf32, #tpu.memory_space<vmem>>, vector<16xf32>,
      %swap3A_154 = vector.shape_cast %swap3A_153 : vector<16xf32> to vector<16xf32>
      %swap3A_155 = vector.shape_cast %select_n3A : vector<16xf32> to vector<16xf32>
      tpu.vector_store %arg7[%swap3A], %swap3A_155 {strides = array<i32>} : memref<5000xf32, #tpu.memory_space<vmem>>, vector<16xf32>,
    } else {
    }
    "tpu.region"() ({
      %run_scoped3A = tpu.sem_alloc : memref<!tpu.dma_semaphore, #tpu.memory_space<semaphore_mem>>
      %dma_start3A = arith.constant 0 : i32
      %dma_start3A_11 = tpu.memref_slice %arg4[%add3A, %dma_start3A] : memref<32x5000xf32, #tpu.memory_space<hbm>> -> memref<1x5000xf32, #tpu.memory_space<hbm>>
      %dma_start3A_12 = tpu.memref_squeeze %dma_start3A_11 : memref<1x5000xf32, #tpu.memory_space<hbm>> -> memref<5000xf32, #tpu.memory_space<hbm>>
      %dma_start3A_13 = arith.constant 0 : i32
      %dma_start3A_14 = tpu.memref_slice %arg4[%add3A, %dma_start3A_13] : memref<32x5000xf32, #tpu.memory_space<hbm>> -> memref<1x5000xf32, #tpu.memory_space<hbm>>
      %dma_start3A_15 = tpu.memref_squeeze %dma_start3A_14 : memref<1x5000xf32, #tpu.memory_space<hbm>> -> memref<5000xf32, #tpu.memory_space<hbm>>
      tpu.enqueue_dma source(%arg7 : memref<5000xf32, #tpu.memory_space<vmem>>) target(%dma_start3A_15 : memref<5000xf32, #tpu.memory_space<hbm>>) target_semaphore(%run_scoped3A : memref<!tpu.dma_semaphore, #tpu.memory_space<semaphore_mem>>)
      %dma_wait3A = arith.constant 0 : i32
      %dma_wait3A_16 = tpu.memref_slice %arg4[%add3A, %dma_wait3A] : memref<32x5000xf32, #tpu.memory_space<hbm>> -> memref<1x5000xf32, #tpu.memory_space<hbm>>
      %dma_wait3A_17 = tpu.memref_squeeze %dma_wait3A_16 : memref<1x5000xf32, #tpu.memory_space<hbm>> -> memref<5000xf32, #tpu.memory_space<hbm>>
      %dma_wait3A_18 = arith.constant 0 : i32
      %dma_wait3A_19 = tpu.memref_slice %arg4[%add3A, %dma_wait3A_18] : memref<32x5000xf32, #tpu.memory_space<hbm>> -> memref<1x5000xf32, #tpu.memory_space<hbm>>
      %dma_wait3A_20 = tpu.memref_squeeze %dma_wait3A_19 : memref<1x5000xf32, #tpu.memory_space<hbm>> -> memref<5000xf32, #tpu.memory_space<hbm>>
      tpu.wait_dma2 semaphore(%run_scoped3A : memref<!tpu.dma_semaphore, #tpu.memory_space<semaphore_mem>>) src(%arg7 : memref<5000xf32, #tpu.memory_space<vmem>>) dst(%dma_wait3A_20 : memref<5000xf32, #tpu.memory_space<hbm>>)
      tpu.yield
    }) : () -> ()
    return
  }
}

module attributes {stable_mosaic.version = 14 : i64} {
  func.func @_post_body(%arg0: memref<32x5000xf32, #tpu.memory_space<vmem>>, %arg1: memref<1x5000xf32, #tpu.memory_space<vmem>>, %arg2: memref<1x5000xf32, #tpu.memory_space<vmem>>, %arg3: memref<1x5000xf32, #tpu.memory_space<vmem>>) attributes {dimension_semantics = [], scalar_prefetch = 0 : i64, scratch_operands = 0 : i64, tpu.core_type = #tpu.core_type<tc>} {
    %get3A = arith.constant 0 : index
    %get3A_0 = arith.constant 0 : index
    %get3A_1 = vector.load %arg0[%get3A, %get3A_0] : memref<32x5000xf32, #tpu.memory_space<vmem>>, vector<32x5000xf32>
    %reduce_sum3A = arith.constant dense<0.000000e+00> : vector<5000xf32>
    %reduce_sum3A_2 = vector.multi_reduction <add>, %get3A_1, %reduce_sum3A [0] : vector<32x5000xf32> to vector<5000xf32>
    %broadcast_in_dim3A = vector.shape_cast %reduce_sum3A_2 : vector<5000xf32> to vector<1x5000xf32>
    %log1p3A = math.log1p %broadcast_in_dim3A : vector<1x5000xf32>
    %reduce_sum3A_3 = vector.shape_cast %log1p3A : vector<1x5000xf32> to vector<1x1x5000xf32>
    %reduce_sum3A_4 = arith.constant dense<0.000000e+00> : vector<1xf32>
    %reduce_sum3A_5 = vector.multi_reduction <add>, %reduce_sum3A_3, %reduce_sum3A_4 [1, 2] : vector<1x1x5000xf32> to vector<1xf32>
    %reduce_sum3A_6 = vector.shape_cast %reduce_sum3A_5 : vector<1xf32> to vector<1x1x1xf32>
    %reduce_sum3A_7 = vector.extract %reduce_sum3A_6[0, 0, 0] : f32 from vector<1x1x1xf32>
    %div3A = arith.constant 5.000000e+03 : f32
    %div3A_8 = arith.divf %reduce_sum3A_7, %div3A : f32
    %sub3A = vector.broadcast %div3A_8 : f32 to vector<1x5000xf32>
    %sub3A_9 = arith.subf %log1p3A, %sub3A : vector<1x5000xf32>
    %integer_pow3A = arith.mulf %sub3A_9, %sub3A_9 : vector<1x5000xf32>
    %reduce_sum3A_10 = vector.shape_cast %integer_pow3A : vector<1x5000xf32> to vector<1x1x5000xf32>
    %reduce_sum3A_11 = arith.constant dense<0.000000e+00> : vector<1xf32>
    %reduce_sum3A_12 = vector.multi_reduction <add>, %reduce_sum3A_10, %reduce_sum3A_11 [1, 2] : vector<1x1x5000xf32> to vector<1xf32>
    %reduce_sum3A_13 = vector.shape_cast %reduce_sum3A_12 : vector<1xf32> to vector<1x1x1xf32>
    %reduce_sum3A_14 = vector.extract %reduce_sum3A_13[0, 0, 0] : f32 from vector<1x1x1xf32>
    %div3A_15 = arith.constant 5.000000e+03 : f32
    %div3A_16 = arith.divf %reduce_sum3A_14, %div3A_15 : f32
    %sub3A_17 = vector.broadcast %div3A_8 : f32 to vector<1x5000xf32>
    %sub3A_18 = arith.subf %log1p3A, %sub3A_17 : vector<1x5000xf32>
    %add3A = arith.constant 1.000000e-03 : f32
    %add3A_19 = arith.addf %div3A_16, %add3A : f32
    %sqrt3A = math.sqrt %add3A_19 : f32
    %div3A_20 = vector.broadcast %sqrt3A : f32 to vector<1x5000xf32>
    %div3A_21 = arith.divf %sub3A_18, %div3A_20 : vector<1x5000xf32>
    %get3A_22 = arith.constant 0 : index
    %get3A_23 = arith.constant 0 : index
    %get3A_24 = vector.load %arg1[%get3A_22, %get3A_23] : memref<1x5000xf32, #tpu.memory_space<vmem>>, vector<1x5000xf32>
    %mul3A = arith.mulf %div3A_21, %get3A_24 : vector<1x5000xf32>
    %get3A_25 = arith.constant 0 : index
    %get3A_26 = arith.constant 0 : index
    %get3A_27 = vector.load %arg2[%get3A_25, %get3A_26] : memref<1x5000xf32, #tpu.memory_space<vmem>>, vector<1x5000xf32>
    %add3A_28 = arith.addf %mul3A, %get3A_27 : vector<1x5000xf32>
    %reduce_min3A = vector.shape_cast %add3A_28 : vector<1x5000xf32> to vector<1x1x5000xf32>
    %reduce_min3A_29 = arith.constant dense<0x7F800000> : vector<1xf32>
    %reduce_min3A_30 = vector.multi_reduction <minimumf>, %reduce_min3A, %reduce_min3A_29 [1, 2] : vector<1x1x5000xf32> to vector<1xf32>
    %reduce_min3A_31 = vector.shape_cast %reduce_min3A_30 : vector<1xf32> to vector<1x1x1xf32>
    %reduce_min3A_32 = vector.extract %reduce_min3A_31[0, 0, 0] : f32 from vector<1x1x1xf32>
    %reduce_max3A = vector.shape_cast %add3A_28 : vector<1x5000xf32> to vector<1x1x5000xf32>
    %reduce_max3A_33 = arith.constant dense<0xFF800000> : vector<1xf32>
    %reduce_max3A_34 = vector.multi_reduction <maximumf>, %reduce_max3A, %reduce_max3A_33 [1, 2] : vector<1x1x5000xf32> to vector<1xf32>
    %reduce_max3A_35 = vector.shape_cast %reduce_max3A_34 : vector<1xf32> to vector<1x1x1xf32>
    %reduce_max3A_36 = vector.extract %reduce_max3A_35[0, 0, 0] : f32 from vector<1x1x1xf32>
    %sub3A_37 = vector.broadcast %reduce_min3A_32 : f32 to vector<1x5000xf32>
    %sub3A_38 = arith.subf %add3A_28, %sub3A_37 : vector<1x5000xf32>
    %sub3A_39 = arith.subf %reduce_max3A_36, %reduce_min3A_32 : f32
    %eq3A = arith.constant 0.000000e+00 : f32
    %eq3A_40 = arith.cmpf oeq, %sub3A_39, %eq3A : f32
    %broadcast_in_dim3A_41 = arith.constant 0.000000e+00 : f32
    %broadcast_in_dim3A_42 = vector.broadcast %broadcast_in_dim3A_41 : f32 to vector<1x5000xf32>
    %div3A_43 = vector.broadcast %sub3A_39 : f32 to vector<1x5000xf32>
    %div3A_44 = arith.divf %sub3A_38, %div3A_43 : vector<1x5000xf32>
    %select_n3A = arith.select %eq3A_40, %broadcast_in_dim3A_42, %div3A_44 : vector<1x5000xf32>
    %swap3A = arith.constant 0 : index
    %swap3A_45 = arith.constant 0 : index
    %swap3A_46 = vector.load %arg3[%swap3A, %swap3A_45] : memref<1x5000xf32, #tpu.memory_space<vmem>>, vector<1x5000xf32>
    tpu.vector_store %arg3[%swap3A, %swap3A_45], %select_n3A {strides = array<i32>} : memref<1x5000xf32, #tpu.memory_space<vmem>>, vector<1x5000xf32>,
    return
  }
}

</mosaic_0001>

<sc_bundles>
// kernel: kernel.4.cloned.1.call-start
scs
__scs_entry_jumppad:
0x0: {  	(pc) =	sbr.rel $0x88, $3  }
0x1: {  	(tag) =	ssettag $0x0;
	lr =	simm.s32 $0x1  }
0x2: {  	[smem:$0x3F9B] =	sst lr;
	_ =	strace $0xD0000000  }
0x3: {  	_ = 	snop  }
0x4: {  	_ = 	snop  }
0x5: {  	_ = 	snop  }
0x6: {  	_ = 	snop  }
0x7: {  	_ = 	snop  }
__scs_overlays_trampoline_lowered:
0x8: {  	[smem:$0x3FAA] =	sst s0  }
0x9: {  	[smem:$0x3FAB] =	sst s1  }
0xa: {  	[smem:$0x3FAC] =	sst s2  }
0xb: {  	[smem:$0x3FAD] =	sst s3  }
0xc: {  	[smem:$0x3FAE] =	sst s4  }
0xd: {  	[smem:$0x3FAF] =	sst s5  }
0xe: {  	[smem:$0x3FB0] =	sst s6  }
0xf: {  	[smem:$0x3FB1] =	sst s7  }
0x10: {  	[smem:$0x3FB2] =	sst s8  }
0x11: {  	[smem:$0x3FB3] =	sst s9;
	s0 =	simm.s32 @!p0 $0x0  }
0x12: {  	s1 =	sld [smem:$0x3F99];
	s0 =	simm.s32 @p0 $0x1  }
0x13: {  	[smem:$0x3FB4] =	sst s0;
	s0 =	simm.s32 @!p1 $0x0  }
0x14: {  	s2 =	sld [smem:$0x3F98];
	s0 =	simm.s32 @p1 $0x1  }
0x15: {  	[smem:$0x3FB5] =	sst s0;
	s0 =	simm.s32 @!p2 $0x0  }
0x16: {  	s3 =	sld [smem:$0x3FDB];
	s0 =	simm.s32 @p2 $0x1  }
0x17: {  	s4 =	simm.s32 $0x1BF5;
	[smem:$0x3FB7] =	sst s0  }
0x18: {  	s0 =	sld [smem:$0x3F9A];
	_ =	swait.ge [sflag:s4], $0x0  }
0x19: {  	s7 =	sld [smem:$0x3F9B]  }
0x1a: {  	s8 =	sadd.s32 $0xFFFFE003, lr  }
0x1b: {  	s9 =	sadd.s32 $0xFFFFFEF7, lr;
	s5 =	simm.s32 $0xFFFFFFFF;
	p2 =	slt.u32 s8, $0xFFFFF086  }
0x1c: {  	p1 =	slt.u32 s9, $0xF7A;
	s5 =	simm.s32 @!p2 $0x0  }
0x1d: {  	s5 =	simm.s32 @p1 $0x1;
	p0 =	seq.s32 s7, s2  }
0x1e: {  	s7 =	smul.u32 @!p0 $0xF7A, s2;
	p2 =	seq.s32 @!p0 s5, $0x0  }
0x1f: {  	s9 =	smul.u32 $0xF7A, s1;
	s8 =	simm.s32 @!p0 $0x1BF5;
	p2 =	por !p2, p0  }
0x20: {  	[sflag:s8] =	ssyncset.s32 @!p0 $0xFFFFF086;
	s6 =	sadd.s32 @!p0 s3, s7;
	s7 =	simm.s32 @!p0 $0x108  }
0x21: {  	s3 =	sadd.s32 s3, s9;
	s6 =	sadd.s32 @!p0 $0x88, s6;
	s7 =	simm.s32 @p2 $0x1082  }
0x22: {  	[simem:s7], [sflag:s8] =	dma.local @!p0 [hbm:s6], $0xF7A  }
0x23: {  	s9 =	sor.u32 $0xD0000000, s2;
	s6 =	simm.s32 $0x108;
	_ =	swait.ge @!p0 [sflag:s8], $0x0  }
0x24: {  	s3 =	sadd.s32 $0x88, s3;
	s6 =	simm.s32 @!p1 $0x1082;
	[sflag:s4] =	ssyncset.s32 $0xFFFFF086  }
0x25: {  	[simem:s6], [sflag:s4] =	dma.local [hbm:s3], $0xF7A  }
0x26: {  	[smem:$0x3F9B] =	sst s1;
	(tag) =	ssettag s2;
	_ =	strace s9  }
0x27: {  	s1 =	sld [smem:$0x3FAB]  }
0x28: {  	s2 =	sld [smem:$0x3FAC]  }
0x29: {  	s4 =	sld [smem:$0x3FAE]  }
0x2a: {  	p0 =	seq.s32 s5, $0x0;
	s5 =	sld [smem:$0x3FAF]  }
0x2b: {  	s6 =	sld [smem:$0x3FB0]  }
0x2c: {  	s7 =	sld [smem:$0x3FB1]  }
0x2d: {  	s3 =	simm.s32 $0x108;
	s8 =	sld [smem:$0x3FB2]  }
0x2e: {  	s3 =	simm.s32 @!p0 $0x1082;
	s9 =	sld [smem:$0x3FB3]  }
0x2f: {  	lr =	sadd.s32 s0, s3;
	s0 =	sld [smem:$0x3FAA]  }
0x30: {  	s3 =	sld [smem:$0x3FAD]  }
0x31: {  	[smem:$0x3FB6] =	sst s10  }
0x32: {  	s10 =	sld [smem:$0x3FB4];
	_ =	sdelay $0x3  }
0x33: {  	p0 =	seq.s32 s10, $0x1;
	s10 =	sld [smem:$0x3FB6];
	_ =	sdelay $0x3  }
0x34: {  	[smem:$0x3FB6] =	sst s10  }
0x35: {  	s10 =	sld [smem:$0x3FB5];
	_ =	sdelay $0x3  }
0x36: {  	p1 =	seq.s32 s10, $0x1;
	s10 =	sld [smem:$0x3FB6];
	_ =	sdelay $0x3  }
0x37: {  	[smem:$0x3FB6] =	sst s10  }
0x38: {  	s10 =	sld [smem:$0x3FB7]  }
0x39: {  	_ = 	snop;
	(pc) =	sbr.ind lr, $3  }
0x3a: {  	_ = 	snop  }
0x3b: {  	_ = 	snop  }
0x3c: {  	p2 =	seq.s32 s10, $0x1;
	s10 =	sld [smem:$0x3FB6]  }
0x3d: {  	_ =	shalt  }
0x3e: {  	_ =	shalt  }
0x3f: {  	_ =	shalt  }
0x40: {  	_ =	shalt  }
0x41: {  	_ =	shalt  }
0x42: {  	_ =	shalt  }
0x43: {  	_ =	shalt  }
0x44: {  	_ =	shalt  }
0x45: {  	_ =	shalt  }
0x46: {  	_ =	shalt  }
0x47: {  	_ =	shalt  }
0x48: {  	_ =	shalt  }
0x49: {  	_ =	shalt  }
0x4a: {  	_ =	shalt  }
0x4b: {  	_ =	shalt  }
0x4c: {  	_ =	shalt  }
0x4d: {  	_ =	shalt  }
0x4e: {  	_ =	shalt  }
0x4f: {  	_ =	shalt  }
0x50: {  	_ =	shalt  }
0x51: {  	_ =	shalt  }
0x52: {  	_ =	shalt  }
0x53: {  	_ =	shalt  }
0x54: {  	_ =	shalt  }
0x55: {  	_ =	shalt  }
0x56: {  	_ =	shalt  }
0x57: {  	_ =	shalt  }
0x58: {  	_ =	shalt  }
0x59: {  	_ =	shalt  }
0x5a: {  	_ =	shalt  }
0x5b: {  	_ =	shalt  }
0x5c: {  	_ =	shalt  }
0x5d: {  	_ =	shalt  }
0x5e: {  	_ =	shalt  }
0x5f: {  	_ =	shalt  }
0x60: {  	_ =	shalt  }
0x61: {  	_ =	shalt  }
0x62: {  	_ =	shalt  }
0x63: {  	_ =	shalt  }
0x64: {  	_ =	shalt  }
0x65: {  	_ =	shalt  }
0x66: {  	_ =	shalt  }
0x67: {  	_ =	shalt  }
0x68: {  	_ =	shalt  }
0x69: {  	_ =	shalt  }
0x6a: {  	_ =	shalt  }
0x6b: {  	_ =	shalt  }
0x6c: {  	_ =	shalt  }
0x6d: {  	_ =	shalt  }
0x6e: {  	_ =	shalt  }
0x6f: {  	_ =	shalt  }
0x70: {  	_ =	shalt  }
0x71: {  	_ =	shalt  }
0x72: {  	_ =	shalt  }
0x73: {  	_ =	shalt  }
0x74: {  	_ =	shalt  }
0x75: {  	_ =	shalt  }
0x76: {  	_ =	shalt  }
0x77: {  	_ =	shalt  }
0x78: {  	_ =	shalt  }
0x79: {  	_ =	shalt  }
0x7a: {  	_ =	shalt  }
0x7b: {  	_ =	shalt  }
0x7c: {  	_ =	shalt  }
0x7d: {  	_ =	shalt  }
0x7e: {  	_ =	shalt  }
0x7f: {  	_ =	shalt  }
0x80: {  	_ =	shalt  }
0x81: {  	_ =	shalt  }
0x82: {  	_ =	shalt  }
0x83: {  	_ =	shalt  }
0x84: {  	_ =	shalt  }
0x85: {  	_ =	shalt  }
0x86: {  	_ =	shalt  }
0x87: {  	_ =	shalt  }
.Lfunc_end0:
.L_simem_size_0:
called_computation_lowered:
.L_overlay_start_0:
0x88: {  	s2 =	sld [smem:$0x3FD9]  }
0x89: {  	s3 =	sld [smem:$0x3FFE];
	_ =	sdelay $0x1  }
0x8a: {  	s1 =	srdreg.scid  }
0x8b: {  	s0 =	sand.u32 $0x1, s1  }
0x8c: {  	s17 =	sshll.u32 s0, $0xA;
	s2 =	sadd.s32 s3, s2  }
0x8d: {  	s2 =	sadd.s32 s2, s17  }
0x8e: {  	[smem:$0x3FC2] =	sst s2  }
0x8f: {  	_ = 	snop  }
0x90: {  	s2 =	sld [smem:$0x3FC8]  }
0x91: {  	s18 =	sld [smem:$0x3FD0];
	(tm) =	ssettm $0x1  }
0x92: {  	s4 =	sld [smem:$0x3FFB];
	_ =	sdelay $0x3  }
0x93: {  	_ =	strace s4  }
0x94: {  	s4 =	sld [smem:$0x3FFC];
	_ =	sdelay $0x3  }
0x95: {  	_ =	strace s4  }
0x96: {  	s4 =	sld [smem:$0x3FFD];
	_ =	sdelay $0x3  }
0x97: {  	_ =	strace s4  }
0x98: {  	_ =	strace $0x8FFFFFFF  }
0x99: {  	s19 =	sld [smem:$0x3FDB];
	_ =	sdelay $0x1  }
0x9a: {  	s5 =	simm.s32 $_scs_section_size  }
0x9b: {  	s6 =	simm.s32 $_size__tile_overlayer_lowered;
	s7 =	simm.s32 $_tile_overlayer_lowered  }
0x9c: {  	s22 =	simm.s32 $0x1BFF;
	s21 =	sshll.u32 s7, $0x1;
	s4 =	sadd.s32 s5, s19  }
0x9d: {  	s8 =	simm.s32 $0x0;
	s20 =	sshll.u32 s6, $0x1;
	s6 =	sadd.s32 s21, s4  }
0x9e: {  	[timem:s8], [sflag:s22] =	dma.local [hbm:s6], s20  }
0x9f: {  	_ =	swait.ge [sflag:s22], s20  }
0xa0: {  	s5 =	ssub.s32 $0x0, s20;
	[sflag:s22] =	ssyncset.done $0x0  }
0xa1: {  	[sflag:s22] =	ssyncadd.s32 s5;
	_ =	sdelay $0x1  }
0xa2: {  	s23 =	simm.s32 $0x1B8B  }
0xa3: {  	_ =	swait.ge [sflag:s23], $0x1  }
0xa4: {  	[sflag:s23] =	ssyncset.done $0x0  }
0xa5: {  	s25 =	simm.s32 $0x1B8E;
	s24 =	sld [smem:$0x3FFE];
	[sflag:s23] =	ssyncadd.s32 $0xFFFFFFFF  }
0xa6: {  	s26 =	simm.s32 $execute0_lowered;
	[smem:$0x3FD2] =	sst s25  }
0xa7: {  	s6 =	sshll.u32 s26, $0x1;
	_ =	strace $0x80000046;
	[dreg:$0x1] =	wrdreg $0xFFFFFFFF  }
0xa8: {  	s28 =	simm.s32 $_size_execute0_lowered;
	s4 =	sadd.s32 s4, s6;
	[dreg:$0x0] =	wrdreg $0x0  }
0xa9: {  	s6 =	sshll.u32 s28, $0x1;
	[dreg:$0x2] =	wrdreg s4  }
0xaa: {  	[dreg:$0x3] =	wrdreg s6  }
0xab: {  	[dreg:$0x4] =	wrdreg $0xC0  }
0xac: {  	_ =	task [dreg:s8], $0x5FFFF  }
0xad: {  	[dreg:$0x1] =	wrdreg $0xFFFFFFFF  }
0xae: {  	[dreg:$0x0] =	wrdreg $0x60  }
0xaf: {  	[dreg:$0x2] =	wrdreg s2  }
0xb0: {  	[dreg:$0x3] =	wrdreg s18  }
0xb1: {  	[dreg:$0x4] =	wrdreg s24  }
0xb2: {  	[dreg:$0x5] =	wrdreg $0x9  }
0xb3: {  	_ =	task.clear_ibuf [dreg:s8], $0x6FFFF;
	_ =	strace $0x90000046  }
0xb4: {  	s29 =	simm.s32 $0x9;
	_ =	strace $0x80000048  }
0xb5: {  	_ =	swait.ge [sflag:s29], $0x1  }
0xb6: {  	[sflag:s29] =	ssyncadd.s32 $0xFFFFFFFF  }
0xb7: {  	_ =	strace $0x90000048  }
0xb8: {  	_ =	sfence  }
0xb9: {  	s30 =	sld [smem:$0x0];
	_ =	sdelay $0x2  }
0xba: {  	s31 =	sshll.u32 s1, $0xD;
	s1 =	sshrl.u32 s1, $0x2  }
0xbb: {  	s3 =	sand.u32 $0x4000, s31;
	s1 =	sadd.s32 s1, s30  }
0xbc: {  	s0 =	sor.u32 s3, s0;
	s1 =	sshll.u32 s1, $0x11  }
0xbd: {  	s0 =	sor.u32 s1, s0  }
0xbe: {  	s0 =	sadd.s32 $0x8F2B, s0  }
0xbf: {  	[sflag:s0] =	ssyncadd.remote.s32 $0x1  }
0xc0: {  	_ =	sfence.sel $0xFFFF  }
0xc1: {  	[dreg:$0x0] =	wrdreg $0xFFFFFFFF;
	(pc) =	sbr.abs _section_cstart, $3  }
0xc2: {  	[dreg:$0x1] =	wrdreg $0xFFFFFFFF  }
0xc3: {  	_ =	task.clear_ibuf [dreg:s8], $0x2FFFF;
	_ =	strace $0x9FFFFFFF  }
0xc4: {  	(tm) =	ssettm $0x7FFFFFFF  }
0xc5: {  	_ =	shalt  }
tec
execute0_lowered:
.L_overlay_start_1:
0x0: {  	(tag) =	ssettag $0x1  }
0x1: {  	s2 =	rddreg [dreg:$0x0]  }
0x2: {  	s4 =	rddreg [dreg:$0x1]  }
0x3: {  	s5 =	rddreg [dreg:$0x2];
	s3 =	srdreg.scid  }
0x4: {  	s1 =	stileid.u32;
	s0 =	rddreg [dreg:$0x3]  }
0x5: {  	s12 =	simm.s32 $0x0;
	s6 =	sand.u32 $0x1, s3;
	s7 =	sshll.u32 s1, $0x1  }
0x6: {  	s3 =	simm.s32 $0x0;
	s8 =	sshrl.u32 s1, $0x2;
	s7 =	sor.u32 s6, s7  }
0x7: {  	v0 =	vimm.s32 $0xFEDCBA98;
	[smem:$0x7FF] =	sst s3;
	s8 =	smul.u32 $0xA000, s8;
	s6 =	ssub.s32 $0x2, s6  }
0x8: {  	v1 =	vimm.s32 $0x76543210;
	v0 =	vunpack.c.l.s4.s8 v0;
	s9 =	sshll.u32 s7, $0x7;
	_ =	strace $0x80000047;
	s10 =	sshrl.u32 s6, $0x1  }
.Ltmp0:
0x9: {  	v1 =	vunpack.c.l.s4.s8 v1;
	s11 =	sshll.u32 s7, $0x1;
	p0 =	seq.s32 s7, $0x1F;
	(pc) =	sbr.rel .LBB2_1-.Ltmp0, $4  }
0xa: {  	v0 =	vunpack.c.0.s8.s32 v0;
	s7 =	simm.s32 $0x2;
	s9 =	sand.u32 $0x380, s9;
	s6 =	ssub.s32 s6, s10  }
0xb: {  	v1 =	vunpack.c.0.s8.s32 v1;
	s4 =	sadd.s32 s4, s11;
	s10 =	simm.s32 $0x400;
	s8 =	sor.u32 s8, s9  }
0xc: {  	s11 =	simm.s32 $0x14080;
	s6 =	smax.u32 s6, $0x1;
	v0 =	vand.u32 $0xF, v0;
	s8 =	sshrl.u32 s8, $0x3  }
0xd: {  	vm0 =	vmmov $0xff;
	s9 =	simm.s32 $0x80;
	v0 =	vcombine.low v0, v1;
	s5 =	sadd.s32 s5, s8;
	s8 =	simm.s32 $0x1  }
.LBB2_45:
0xe: {  	v1 =	vld [tilespmem:s16+$0x100]  }
0xf: {  	v2 =	vld [tilespmem:s16+$0x80];
	_ =	sdelay $0x1  }
0x10: {  	v3 =	vld [tilespmem:s16+$0x180];
	_ =	sdelay $0x1  }
0x11: {  	v4 =	vld [tilespmem:s16+$0x200]  }
0x12: {  	v1 =	vadd.f32 v1, v2;
	_ =	sdelay $0x1  }
0x13: {  	v1 =	vadd.f32 v3, v1;
	_ =	sdelay $0x1  }
0x14: {  	v1 =	vadd.f32 v4, v1  }
0x15: {  	s13 =	sadd.s32 $0x10, s13  }
0x16: {  	[tilespmem:s13+$0x0] =	vst v1  }
0x17: {  	v1 =	vld.msk [tilespmem:$0x9C80], $0xff  }
0x18: {  	v2 =	vld.msk [tilespmem:$0x9D00], $0xff;
	_ =	sdelay $0x1  }
0x19: {  	v3 =	vld.msk [tilespmem:$0x9D80], $0xff;
	_ =	sdelay $0x1  }
0x1a: {  	v63 =	vld.msk [tilespmem:$0x9E00], $0xff  }
0x1b: {  	v1 =	vadd.f32 v2, v1;
	_ =	sdelay $0x1  }
0x1c: {  	v1 =	vadd.f32 v3, v1;
	_ =	sdelay $0x1  }
0x1d: {  	v1 =	vadd.f32 v63, v1  }
.LBB2_46:
0x1e: {  	v2 =	vld [tilespmem:$0x153F8];
	_ =	sdelay $0x2  }
0x1f: {  	v1 =	vperm.xlane v1, v0  }
0x20: {  	s12 =	sadd.s32 $0x1, s12  }
0x21: {  	p1 =	sne.s32 s12, s6;
	v1 =	vsel vm0, v2, v1  }
.Ltmp1:
0x22: {  	[tilespmem:$0x153F8] =	vst v1;
	(pc) =	sbr.rel @!p1 .LBB2_47-.Ltmp1, $4  }
0x23: {  	[hbm4b:s5+s9] =	stream.strided.scatter [tilespmem:s11], [sflag:$0x2], $0x1400, s10, s9, $0x38;
	[tilespmem:$0x15480] =	vst v63  }
0x24: {  	_ =	swait.ge [sflag:s7], $0x1400  }
0x25: {  	[sflag:s7] =	ssyncset.done $0x0  }
0x26: {  	[sflag:s7] =	ssyncadd.s32 $0xFFFFEC00  }
.LBB2_1:
0x27: {  	[tilespmem:s3], [sflag:$0x2] =	stream.linear.gather [hbm4b:s4+s3], $0x10, $0x38;
	[tilespmem:$0x15480] =	vst v63  }
0x28: {  	_ =	swait.ge [sflag:s7], $0x10  }
0x29: {  	[sflag:s7] =	ssyncset.done $0x0  }
0x2a: {  	[sflag:s7] =	ssyncadd.s32 $0xFFFFFFF0  }
0x2b: {  	v1 =	vld [tilespmem:$0x0];
	_ =	sdelay $0x4  }
0x2c: {  	(v2sf) =	vpush v1, $0x0;
	_ =	sdelay $0xe  }
0x2d: {  	s13 =	spop (v2sf)  }
0x2e: {  	s14 =	sshrl.u32 s13, $0x3  }
0x2f: {  	s13 =	sshll.u32 s13, $0x7;
	s14 =	smul.u32 $0xA000, s14  }
.Ltmp2:
0x30: {  	s13 =	sand.u32 $0x380, s13;
	(pc) =	sbr.rel @!p0 .LBB2_2-.Ltmp2, $4  }
0x31: {  	s13 =	sor.u32 s13, s14  }
0x32: {  	s13 =	sshrl.u32 s13, $0x3  }
0x33: {  	s15 =	simm.s32 $0x480;
	s13 =	sadd.s32 s2, s13  }
0x34: {  	s16 =	simm.s32 $0x80;
	s14 =	simm.s32 $0x80;
	s17 =	sadd.s32 $0x0, s13  }
.LBB2_36:
0x35: {  	[tilespmem:s16], [sflag:$0x1] =	stream.linear.gather [hbm4b:s17+s3], $0x80, $0x38;
	[tilespmem:$0x15480] =	vst v63  }
0x36: {  	s17 =	smov.u32 s14;
	s16 =	smov.u32 s15;
	p1 =	sne.s32 s14, $0x1380  }
.Ltmp3:
0x37: {  	s14 =	sadd.s32 $0x80, s14;
	(pc) =	sbr.rel @p1 .LBB2_36-.Ltmp3, $2  }
0x38: {  	_ =	sdelay $0x2  }
0x39: {  	s15 =	sadd.s32 $0x400, s15;
	s17 =	sadd.s32 s17, s13  }
0x3a: {  	(v2sf) =	vpush v1, $0x1;
	_ =	sdelay $0xd  }
0x3b: {  	[tilespmem:s16], [sflag:$0x1] =	stream.linear.gather [hbm4b:s17+s3], $0x80, $0x38;
	[tilespmem:$0x15480] =	vst v63  }
0x3c: {  	s13 =	spop (v2sf)  }
0x3d: {  	s14 =	sshrl.u32 s13, $0x3  }
0x3e: {  	s13 =	sshll.u32 s13, $0x7;
	s14 =	smul.u32 $0xA000, s14  }
0x3f: {  	s13 =	sand.u32 $0x380, s13  }
0x40: {  	s13 =	sor.u32 s13, s14  }
0x41: {  	s13 =	sshrl.u32 s13, $0x3  }
0x42: {  	s15 =	simm.s32 $0x80;
	s13 =	sadd.s32 s2, s13  }
0x43: {  	s16 =	simm.s32 $0x500;
	s14 =	simm.s32 $0x100;
	s17 =	sadd.s32 $0x0, s13  }
.LBB2_38:
0x44: {  	[tilespmem:s14], [sflag:$0x1] =	stream.linear.gather [hbm4b:s17+s3], $0x80, $0x38;
	[tilespmem:$0x15480] =	vst v63  }
0x45: {  	s17 =	smov.u32 s15;
	s14 =	smov.u32 s16;
	p1 =	sne.s32 s15, $0x1380  }
.Ltmp4:
0x46: {  	s15 =	sadd.s32 $0x80, s15;
	(pc) =	sbr.rel @p1 .LBB2_38-.Ltmp4, $2  }
0x47: {  	_ =	sdelay $0x2  }
0x48: {  	s16 =	sadd.s32 $0x400, s16;
	s17 =	sadd.s32 s17, s13  }
0x49: {  	(v2sf) =	vpush v1, $0x2;
	_ =	sdelay $0xd  }
0x4a: {  	[tilespmem:s14], [sflag:$0x1] =	stream.linear.gather [hbm4b:s17+s3], $0x80, $0x38;
	[tilespmem:$0x15480] =	vst v63  }
0x4b: {  	s13 =	spop (v2sf)  }
0x4c: {  	s31 =	sshrl.u32 s13, $0x3  }
0x4d: {  	s13 =	sshll.u32 s13, $0x7;
	s14 =	smul.u32 $0xA000, s31  }
0x4e: {  	s13 =	sand.u32 $0x380, s13  }
0x4f: {  	s13 =	sor.u32 s13, s14  }
0x50: {  	s13 =	sshrl.u32 s13, $0x3  }
0x51: {  	s15 =	simm.s32 $0x80;
	s13 =	sadd.s32 s2, s13  }
0x52: {  	s16 =	simm.s32 $0x580;
	s14 =	simm.s32 $0x180;
	s17 =	sadd.s32 $0x0, s13  }
.LBB2_40:
0x53: {  	[tilespmem:s14], [sflag:$0x1] =	stream.linear.gather [hbm4b:s17+s3], $0x80, $0x38;
	[tilespmem:$0x15480] =	vst v63  }
0x54: {  	s17 =	smov.u32 s15;
	s14 =	smov.u32 s16;
	p1 =	sne.s32 s15, $0x1380  }
.Ltmp5:
0x55: {  	s15 =	sadd.s32 $0x80, s15;
	(pc) =	sbr.rel @p1 .LBB2_40-.Ltmp5, $2  }
0x56: {  	_ =	sdelay $0x2  }
0x57: {  	s16 =	sadd.s32 $0x400, s16;
	s17 =	sadd.s32 s17, s13  }
0x58: {  	(v2sf) =	vpush v1, $0x3;
	_ =	sdelay $0xd  }
0x59: {  	[tilespmem:s14], [sflag:$0x1] =	stream.linear.gather [hbm4b:s17+s3], $0x80, $0x38;
	[tilespmem:$0x15480] =	vst v63  }
0x5a: {  	s13 =	spop (v2sf)  }
0x5b: {  	s31 =	sshrl.u32 s13, $0x3  }
0x5c: {  	s13 =	sshll.u32 s13, $0x7;
	s14 =	smul.u32 $0xA000, s31  }
0x5d: {  	s13 =	sand.u32 $0x380, s13  }
0x5e: {  	s13 =	sor.u32 s13, s14  }
0x5f: {  	s13 =	sshrl.u32 s13, $0x3  }
0x60: {  	s15 =	simm.s32 $0x80;
	s13 =	sadd.s32 s2, s13  }
0x61: {  	s16 =	simm.s32 $0x600;
	s14 =	simm.s32 $0x200;
	s17 =	sadd.s32 $0x0, s13  }
.LBB2_42:
0x62: {  	[tilespmem:s14], [sflag:$0x1] =	stream.linear.gather [hbm4b:s17+s3], $0x80, $0x38;
	[tilespmem:$0x15480] =	vst v63  }
0x63: {  	s17 =	smov.u32 s15;
	s14 =	smov.u32 s16;
	p1 =	sne.s32 s15, $0x1380  }
.Ltmp6:
0x64: {  	s15 =	sadd.s32 $0x80, s15;
	(pc) =	sbr.rel @p1 .LBB2_42-.Ltmp6, $2  }
0x65: {  	_ =	sdelay $0x2  }
0x66: {  	s16 =	sadd.s32 $0x400, s16;
	s17 =	sadd.s32 s17, s13  }
0x67: {  	[tilespmem:s14], [sflag:$0x1] =	stream.linear.gather [hbm4b:s17+s3], $0x80, $0x38;
	[tilespmem:$0x15480] =	vst v63  }
0x68: {  	_ =	swait.ge [sflag:s8], $0x1400  }
0x69: {  	[sflag:s8] =	ssyncset.done $0x0  }
0x6a: {  	[sflag:s8] =	ssyncadd.s32 $0xFFFFEC00  }
0x6b: {  	_ =	swait.ge [sflag:s8], $0x1400  }
0x6c: {  	[sflag:s8] =	ssyncset.done $0x0  }
0x6d: {  	[sflag:s8] =	ssyncadd.s32 $0xFFFFEC00  }
0x6e: {  	_ =	swait.ge [sflag:s8], $0x1400  }
0x6f: {  	[sflag:s8] =	ssyncset.done $0x0  }
0x70: {  	[sflag:s8] =	ssyncadd.s32 $0xFFFFEC00  }
0x71: {  	s13 =	simm.s32 $0x0;
	_ =	swait.ge [sflag:s8], $0x1400  }
0x72: {  	s31 =	sand.u32 $0x70, s13;
	s13 =	sand.u32 $0xFC00, s13;
	[sflag:s8] =	ssyncset.done $0x0  }
0x73: {  	s13 =	sor.u32 s31, s13;
	[sflag:s8] =	ssyncadd.s32 $0xFFFFEC00  }
0x74: {  	v1 =	vld [tilespmem:s13+$0x100]  }
0x75: {  	v2 =	vld [tilespmem:s13+$0x80];
	_ =	sdelay $0x1  }
0x76: {  	v3 =	vld [tilespmem:s13+$0x180];
	_ =	sdelay $0x1  }
0x77: {  	v4 =	vld [tilespmem:s13+$0x200]  }
0x78: {  	v1 =	vadd.f32 v1, v2;
	_ =	sdelay $0x1  }
0x79: {  	v1 =	vadd.f32 v3, v1;
	_ =	sdelay $0x1  }
0x7a: {  	s15 =	simm.s32 $0x10;
	s14 =	simm.s32 $0x80;
	v1 =	vadd.f32 v4, v1  }
0x7b: {  	s15 =	sand.u32 $0x70, s15;
	s16 =	sand.u32 $0xFC00, s14;
	s13 =	simm.s32 $0x14080  }
0x7c: {  	s16 =	sor.u32 s15, s16;
	s15 =	simm.s32 $0x20;
	[tilespmem:s13+$0x0] =	vst v1  }
.LBB2_44:
0x7d: {  	p1 =	sne.s32 s15, $0x1370;
	v1 =	vld [tilespmem:s16+$0x100]  }
0x7e: {  	v2 =	vld [tilespmem:s16+$0x80];
	_ =	sdelay $0x1  }
0x7f: {  	v3 =	vld [tilespmem:s16+$0x180];
	_ =	sdelay $0x1  }
0x80: {  	v4 =	vld [tilespmem:s16+$0x200]  }
0x81: {  	v1 =	vadd.f32 v1, v2;
	_ =	sdelay $0x1  }
.Ltmp7:
0x82: {  	v1 =	vadd.f32 v3, v1;
	(pc) =	sbr.rel @p1 .LBB2_44-.Ltmp7, $4  }
0x83: {  	_ = 	snop  }
0x84: {  	s14 =	sadd.s32 $0x80, s14;
	v1 =	vadd.f32 v4, v1  }
0x85: {  	s13 =	sadd.s32 $0x10, s13;
	s17 =	sand.u32 $0xFC00, s14;
	s16 =	sand.u32 $0x70, s15  }
0x86: {  	s15 =	sadd.s32 $0x10, s15;
	s16 =	sor.u32 s16, s17;
	[tilespmem:s13+$0x0] =	vst v1  }
.Ltmp8:
0x87: {  	_ = 	snop;
	(pc) =	sbr.rel .LBB2_45-.Ltmp8, $1  }
0x88: {  	_ =	sdelay $0x3  }
.LBB2_2:
0x89: {  	[tilespmem:s16], [sflag:$0x1] =	stream.linear.gather [hbm4b:s17+s3], $0x80, $0x38;
	[tilespmem:$0x15480] =	vst v63  }
0x8a: {  	s17 =	smov.u32 s14;
	s16 =	smov.u32 s15;
	p1 =	sne.s32 s14, $0x1380  }
.Ltmp9:
0x8b: {  	s14 =	sadd.s32 $0x80, s14;
	(pc) =	sbr.rel @p1 .LBB2_2-.Ltmp9, $2  }
0x8c: {  	_ =	sdelay $0x2  }
0x8d: {  	s15 =	sadd.s32 $0x400, s15;
	s17 =	sadd.s32 s17, s13  }
0x8e: {  	(v2sf) =	vpush v1, $0x1;
	_ =	sdelay $0xd  }
0x8f: {  	[tilespmem:s16], [sflag:$0x1] =	stream.linear.gather [hbm4b:s17+s3], $0x80, $0x38;
	[tilespmem:$0x15480] =	vst v63  }
0x90: {  	s13 =	spop (v2sf)  }
0x91: {  	s14 =	sshrl.u32 s13, $0x3  }
0x92: {  	s13 =	sshll.u32 s13, $0x7;
	s14 =	smul.u32 $0xA000, s14  }
0x93: {  	s13 =	sand.u32 $0x380, s13  }
0x94: {  	s13 =	sor.u32 s13, s14  }
0x95: {  	s13 =	sshrl.u32 s13, $0x3  }
0x96: {  	s15 =	simm.s32 $0x80;
	s13 =	sadd.s32 s2, s13  }
0x97: {  	s16 =	simm.s32 $0x500;
	s14 =	simm.s32 $0x100;
	s17 =	sadd.s32 $0x0, s13  }
.LBB2_4:
0x98: {  	[tilespmem:s14], [sflag:$0x1] =	stream.linear.gather [hbm4b:s17+s3], $0x80, $0x38;
	[tilespmem:$0x15480] =	vst v63  }
0x99: {  	s17 =	smov.u32 s15;
	s14 =	smov.u32 s16;
	p1 =	sne.s32 s15, $0x1380  }
.Ltmp10:
0x9a: {  	s15 =	sadd.s32 $0x80, s15;
	(pc) =	sbr.rel @p1 .LBB2_4-.Ltmp10, $2  }
0x9b: {  	_ =	sdelay $0x2  }
0x9c: {  	s16 =	sadd.s32 $0x400, s16;
	s17 =	sadd.s32 s17, s13  }
0x9d: {  	(v2sf) =	vpush v1, $0x2;
	_ =	sdelay $0xd  }
0x9e: {  	[tilespmem:s14], [sflag:$0x1] =	stream.linear.gather [hbm4b:s17+s3], $0x80, $0x38;
	[tilespmem:$0x15480] =	vst v63  }
0x9f: {  	s13 =	spop (v2sf)  }
0xa0: {  	s31 =	sshrl.u32 s13, $0x3  }
0xa1: {  	s13 =	sshll.u32 s13, $0x7;
	s14 =	smul.u32 $0xA000, s31  }
0xa2: {  	s13 =	sand.u32 $0x380, s13  }
0xa3: {  	s13 =	sor.u32 s13, s14  }
0xa4: {  	s13 =	sshrl.u32 s13, $0x3  }
0xa5: {  	s15 =	simm.s32 $0x80;
	s13 =	sadd.s32 s2, s13  }
0xa6: {  	s16 =	simm.s32 $0x580;
	s14 =	simm.s32 $0x180;
	s17 =	sadd.s32 $0x0, s13  }
.LBB2_6:
0xa7: {  	[tilespmem:s14], [sflag:$0x1] =	stream.linear.gather [hbm4b:s17+s3], $0x80, $0x38;
	[tilespmem:$0x15480] =	vst v63  }
0xa8: {  	s17 =	smov.u32 s15;
	s14 =	smov.u32 s16;
	p1 =	sne.s32 s15, $0x1380  }
.Ltmp11:
0xa9: {  	s15 =	sadd.s32 $0x80, s15;
	(pc) =	sbr.rel @p1 .LBB2_6-.Ltmp11, $2  }
0xaa: {  	_ =	sdelay $0x2  }
0xab: {  	s16 =	sadd.s32 $0x400, s16;
	s17 =	sadd.s32 s17, s13  }
0xac: {  	(v2sf) =	vpush v1, $0x3;
	_ =	sdelay $0xd  }
0xad: {  	[tilespmem:s14], [sflag:$0x1] =	stream.linear.gather [hbm4b:s17+s3], $0x80, $0x38;
	[tilespmem:$0x15480] =	vst v63  }
0xae: {  	s13 =	spop (v2sf)  }
0xaf: {  	s31 =	sshrl.u32 s13, $0x3  }
0xb0: {  	s13 =	sshll.u32 s13, $0x7;
	s14 =	smul.u32 $0xA000, s31  }
0xb1: {  	s13 =	sand.u32 $0x380, s13  }
0xb2: {  	s13 =	sor.u32 s13, s14  }
0xb3: {  	s13 =	sshrl.u32 s13, $0x3  }
0xb4: {  	s15 =	simm.s32 $0x80;
	s13 =	sadd.s32 s2, s13  }
0xb5: {  	s16 =	simm.s32 $0x600;
	s14 =	simm.s32 $0x200;
	s17 =	sadd.s32 $0x0, s13  }
.LBB2_8:
0xb6: {  	[tilespmem:s14], [sflag:$0x1] =	stream.linear.gather [hbm4b:s17+s3], $0x80, $0x38;
	[tilespmem:$0x15480] =	vst v63  }
0xb7: {  	s17 =	smov.u32 s15;
	s14 =	smov.u32 s16;
	p1 =	sne.s32 s15, $0x1380  }
.Ltmp12:
0xb8: {  	s15 =	sadd.s32 $0x80, s15;
	(pc) =	sbr.rel @p1 .LBB2_8-.Ltmp12, $2  }
0xb9: {  	_ =	sdelay $0x2  }
0xba: {  	s16 =	sadd.s32 $0x400, s16;
	s17 =	sadd.s32 s17, s13  }
0xbb: {  	(v2sf) =	vpush v1, $0x4;
	_ =	sdelay $0xd  }
0xbc: {  	[tilespmem:s14], [sflag:$0x1] =	stream.linear.gather [hbm4b:s17+s3], $0x80, $0x38;
	[tilespmem:$0x15480] =	vst v63  }
0xbd: {  	s13 =	spop (v2sf)  }
0xbe: {  	s31 =	sshrl.u32 s13, $0x3  }
0xbf: {  	s13 =	sshll.u32 s13, $0x7;
	s14 =	smul.u32 $0xA000, s31  }
0xc0: {  	s13 =	sand.u32 $0x380, s13  }
0xc1: {  	s13 =	sor.u32 s13, s14  }
0xc2: {  	s13 =	sshrl.u32 s13, $0x3  }
0xc3: {  	s15 =	simm.s32 $0x80;
	s13 =	sadd.s32 s2, s13  }
0xc4: {  	s16 =	simm.s32 $0x680;
	s14 =	simm.s32 $0x280;
	s17 =	sadd.s32 $0x0, s13  }
.LBB2_10:
0xc5: {  	[tilespmem:s14], [sflag:$0x1] =	stream.linear.gather [hbm4b:s17+s3], $0x80, $0x38;
	[tilespmem:$0x15480] =	vst v63  }
0xc6: {  	s17 =	smov.u32 s15;
	s14 =	smov.u32 s16;
	p1 =	sne.s32 s15, $0x1380  }
.Ltmp13:
0xc7: {  	s15 =	sadd.s32 $0x80, s15;
	(pc) =	sbr.rel @p1 .LBB2_10-.Ltmp13, $2  }
0xc8: {  	_ =	sdelay $0x2  }
0xc9: {  	s16 =	sadd.s32 $0x400, s16;
	s17 =	sadd.s32 s17, s13  }
0xca: {  	(v2sf) =	vpush v1, $0x5;
	_ =	sdelay $0xd  }
0xcb: {  	[tilespmem:s14], [sflag:$0x1] =	stream.linear.gather [hbm4b:s17+s3], $0x80, $0x38;
	[tilespmem:$0x15480] =	vst v63  }
0xcc: {  	s13 =	spop (v2sf)  }
0xcd: {  	s31 =	sshrl.u32 s13, $0x3  }
0xce: {  	s13 =	sshll.u32 s13, $0x7;
	s14 =	smul.u32 $0xA000, s31  }
0xcf: {  	s13 =	sand.u32 $0x380, s13  }
0xd0: {  	s13 =	sor.u32 s13, s14  }
0xd1: {  	s13 =	sshrl.u32 s13, $0x3  }
0xd2: {  	s15 =	simm.s32 $0x80;
	s13 =	sadd.s32 s2, s13  }
0xd3: {  	s16 =	simm.s32 $0x700;
	s14 =	simm.s32 $0x300;
	s17 =	sadd.s32 $0x0, s13  }
.LBB2_12:
0xd4: {  	[tilespmem:s14], [sflag:$0x1] =	stream.linear.gather [hbm4b:s17+s3], $0x80, $0x38;
	[tilespmem:$0x15480] =	vst v63  }
0xd5: {  	s17 =	smov.u32 s15;
	s14 =	smov.u32 s16;
	p1 =	sne.s32 s15, $0x1380  }
.Ltmp14:
0xd6: {  	s15 =	sadd.s32 $0x80, s15;
	(pc) =	sbr.rel @p1 .LBB2_12-.Ltmp14, $2  }
0xd7: {  	_ =	sdelay $0x2  }
0xd8: {  	s16 =	sadd.s32 $0x400, s16;
	s17 =	sadd.s32 s17, s13  }
0xd9: {  	(v2sf) =	vpush v1, $0x6;
	_ =	sdelay $0xd  }
0xda: {  	[tilespmem:s14], [sflag:$0x1] =	stream.linear.gather [hbm4b:s17+s3], $0x80, $0x38;
	[tilespmem:$0x15480] =	vst v63  }
0xdb: {  	s13 =	spop (v2sf)  }
0xdc: {  	s31 =	sshrl.u32 s13, $0x3  }
0xdd: {  	s13 =	sshll.u32 s13, $0x7;
	s14 =	smul.u32 $0xA000, s31  }
0xde: {  	s13 =	sand.u32 $0x380, s13  }
0xdf: {  	s13 =	sor.u32 s13, s14  }
0xe0: {  	s13 =	sshrl.u32 s13, $0x3  }
0xe1: {  	s15 =	simm.s32 $0x80;
	s13 =	sadd.s32 s2, s13  }
0xe2: {  	s16 =	simm.s32 $0x780;
	s14 =	simm.s32 $0x380;
	s17 =	sadd.s32 $0x0, s13  }
.LBB2_14:
0xe3: {  	[tilespmem:s14], [sflag:$0x1] =	stream.linear.gather [hbm4b:s17+s3], $0x80, $0x38;
	[tilespmem:$0x15480] =	vst v63  }
0xe4: {  	s17 =	smov.u32 s15;
	s14 =	smov.u32 s16;
	p1 =	sne.s32 s15, $0x1380  }
.Ltmp15:
0xe5: {  	s15 =	sadd.s32 $0x80, s15;
	(pc) =	sbr.rel @p1 .LBB2_14-.Ltmp15, $2  }
0xe6: {  	_ =	sdelay $0x2  }
0xe7: {  	s16 =	sadd.s32 $0x400, s16;
	s17 =	sadd.s32 s17, s13  }
0xe8: {  	(v2sf) =	vpush v1, $0x7;
	_ =	sdelay $0xd  }
0xe9: {  	[tilespmem:s14], [sflag:$0x1] =	stream.linear.gather [hbm4b:s17+s3], $0x80, $0x38;
	[tilespmem:$0x15480] =	vst v63  }
0xea: {  	s13 =	spop (v2sf)  }
0xeb: {  	s31 =	sshrl.u32 s13, $0x3  }
0xec: {  	s13 =	sshll.u32 s13, $0x7;
	s14 =	smul.u32 $0xA000, s31  }
0xed: {  	s13 =	sand.u32 $0x380, s13  }
0xee: {  	s13 =	sor.u32 s13, s14  }
0xef: {  	s13 =	sshrl.u32 s13, $0x3  }
0xf0: {  	s15 =	simm.s32 $0x80;
	s13 =	sadd.s32 s2, s13  }
0xf1: {  	s16 =	simm.s32 $0x800;
	s14 =	simm.s32 $0x400;
	s17 =	sadd.s32 $0x0, s13  }
.LBB2_16:
0xf2: {  	[tilespmem:s14], [sflag:$0x1] =	stream.linear.gather [hbm4b:s17+s3], $0x80, $0x38;
	[tilespmem:$0x15480] =	vst v63  }
0xf3: {  	s17 =	smov.u32 s15;
	s14 =	smov.u32 s16;
	p1 =	sne.s32 s15, $0x1380  }
.Ltmp16:
0xf4: {  	s15 =	sadd.s32 $0x80, s15;
	(pc) =	sbr.rel @p1 .LBB2_16-.Ltmp16, $2  }
0xf5: {  	_ =	sdelay $0x2  }
0xf6: {  	s16 =	sadd.s32 $0x400, s16;
	s17 =	sadd.s32 s17, s13  }
0xf7: {  	(v2sf) =	vpush v1, $0x8;
	_ =	sdelay $0xd  }
0xf8: {  	[tilespmem:s14], [sflag:$0x1] =	stream.linear.gather [hbm4b:s17+s3], $0x80, $0x38;
	[tilespmem:$0x15480] =	vst v63  }
0xf9: {  	s13 =	spop (v2sf)  }
0xfa: {  	s31 =	sshrl.u32 s13, $0x3  }
0xfb: {  	s13 =	sshll.u32 s13, $0x7;
	s14 =	smul.u32 $0xA000, s31  }
0xfc: {  	s13 =	sand.u32 $0x380, s13  }
0xfd: {  	s13 =	sor.u32 s13, s14  }
0xfe: {  	s13 =	sshrl.u32 s13, $0x3  }
0xff: {  	s15 =	simm.s32 $0x80;
	s13 =	sadd.s32 s2, s13  }
0x100: {  	s16 =	simm.s32 $0xA480;
	s14 =	simm.s32 $0xA080;
	s17 =	sadd.s32 $0x0, s13  }
.LBB2_18:
0x101: {  	[tilespmem:s14], [sflag:$0x1] =	stream.linear.gather [hbm4b:s17+s3], $0x80, $0x38;
	[tilespmem:$0x15480] =	vst v63  }
0x102: {  	s17 =	smov.u32 s15;
	s14 =	smov.u32 s16;
	p1 =	sne.s32 s15, $0x1380  }
.Ltmp17:
0x103: {  	s15 =	sadd.s32 $0x80, s15;
	(pc) =	sbr.rel @p1 .LBB2_18-.Ltmp17, $2  }
0x104: {  	_ =	sdelay $0x2  }
0x105: {  	s16 =	sadd.s32 $0x400, s16;
	s17 =	sadd.s32 s17, s13  }
0x106: {  	(v2sf) =	vpush v1, $0x9;
	_ =	sdelay $0xd  }
0x107: {  	[tilespmem:s14], [sflag:$0x1] =	stream.linear.gather [hbm4b:s17+s3], $0x80, $0x38;
	[tilespmem:$0x15480] =	vst v63  }
0x108: {  	s13 =	spop (v2sf)  }
0x109: {  	s31 =	sshrl.u32 s13, $0x3  }
0x10a: {  	s13 =	sshll.u32 s13, $0x7;
	s14 =	smul.u32 $0xA000, s31  }
0x10b: {  	s13 =	sand.u32 $0x380, s13  }
0x10c: {  	s13 =	sor.u32 s13, s14  }
0x10d: {  	s13 =	sshrl.u32 s13, $0x3  }
0x10e: {  	s15 =	simm.s32 $0x80;
	s13 =	sadd.s32 s2, s13  }
0x10f: {  	s16 =	simm.s32 $0xA500;
	s14 =	simm.s32 $0xA100;
	s17 =	sadd.s32 $0x0, s13  }
.LBB2_20:
0x110: {  	[tilespmem:s14], [sflag:$0x1] =	stream.linear.gather [hbm4b:s17+s3], $0x80, $0x38;
	[tilespmem:$0x15480] =	vst v63  }
0x111: {  	s17 =	smov.u32 s15;
	s14 =	smov.u32 s16;
	p1 =	sne.s32 s15, $0x1380  }
.Ltmp18:
0x112: {  	s15 =	sadd.s32 $0x80, s15;
	(pc) =	sbr.rel @p1 .LBB2_20-.Ltmp18, $2  }
0x113: {  	_ =	sdelay $0x2  }
0x114: {  	s16 =	sadd.s32 $0x400, s16;
	s17 =	sadd.s32 s17, s13  }
0x115: {  	(v2sf) =	vpush v1, $0xA;
	_ =	sdelay $0xd  }
0x116: {  	[tilespmem:s14], [sflag:$0x1] =	stream.linear.gather [hbm4b:s17+s3], $0x80, $0x38;
	[tilespmem:$0x15480] =	vst v63  }
0x117: {  	s13 =	spop (v2sf)  }
0x118: {  	s31 =	sshrl.u32 s13, $0x3  }
0x119: {  	s13 =	sshll.u32 s13, $0x7;
	s14 =	smul.u32 $0xA000, s31  }
0x11a: {  	s13 =	sand.u32 $0x380, s13  }
0x11b: {  	s13 =	sor.u32 s13, s14  }
0x11c: {  	s13 =	sshrl.u32 s13, $0x3  }
0x11d: {  	s15 =	simm.s32 $0x80;
	s13 =	sadd.s32 s2, s13  }
0x11e: {  	s16 =	simm.s32 $0xA580;
	s14 =	simm.s32 $0xA180;
	s17 =	sadd.s32 $0x0, s13  }
.LBB2_22:
0x11f: {  	[tilespmem:s14], [sflag:$0x1] =	stream.linear.gather [hbm4b:s17+s3], $0x80, $0x38;
	[tilespmem:$0x15480] =	vst v63  }
0x120: {  	s17 =	smov.u32 s15;
	s14 =	smov.u32 s16;
	p1 =	sne.s32 s15, $0x1380  }
.Ltmp19:
0x121: {  	s15 =	sadd.s32 $0x80, s15;
	(pc) =	sbr.rel @p1 .LBB2_22-.Ltmp19, $2  }
0x122: {  	_ =	sdelay $0x2  }
0x123: {  	s16 =	sadd.s32 $0x400, s16;
	s17 =	sadd.s32 s17, s13  }
0x124: {  	(v2sf) =	vpush v1, $0xB;
	_ =	sdelay $0xd  }
0x125: {  	[tilespmem:s14], [sflag:$0x1] =	stream.linear.gather [hbm4b:s17+s3], $0x80, $0x38;
	[tilespmem:$0x15480] =	vst v63  }
0x126: {  	s13 =	spop (v2sf)  }
0x127: {  	s31 =	sshrl.u32 s13, $0x3  }
0x128: {  	s13 =	sshll.u32 s13, $0x7;
	s14 =	smul.u32 $0xA000, s31  }
0x129: {  	s13 =	sand.u32 $0x380, s13  }
0x12a: {  	s13 =	sor.u32 s13, s14  }
0x12b: {  	s13 =	sshrl.u32 s13, $0x3  }
0x12c: {  	s15 =	simm.s32 $0x80;
	s13 =	sadd.s32 s2, s13  }
0x12d: {  	s16 =	simm.s32 $0xA600;
	s14 =	simm.s32 $0xA200;
	s17 =	sadd.s32 $0x0, s13  }
.LBB2_24:
0x12e: {  	[tilespmem:s14], [sflag:$0x1] =	stream.linear.gather [hbm4b:s17+s3], $0x80, $0x38;
	[tilespmem:$0x15480] =	vst v63  }
0x12f: {  	s17 =	smov.u32 s15;
	s14 =	smov.u32 s16;
	p1 =	sne.s32 s15, $0x1380  }
.Ltmp20:
0x130: {  	s15 =	sadd.s32 $0x80, s15;
	(pc) =	sbr.rel @p1 .LBB2_24-.Ltmp20, $2  }
0x131: {  	_ =	sdelay $0x2  }
0x132: {  	s16 =	sadd.s32 $0x400, s16;
	s17 =	sadd.s32 s17, s13  }
0x133: {  	(v2sf) =	vpush v1, $0xC;
	_ =	sdelay $0xd  }
0x134: {  	[tilespmem:s14], [sflag:$0x1] =	stream.linear.gather [hbm4b:s17+s3], $0x80, $0x38;
	[tilespmem:$0x15480] =	vst v63  }
0x135: {  	s13 =	spop (v2sf)  }
0x136: {  	s31 =	sshrl.u32 s13, $0x3  }
0x137: {  	s13 =	sshll.u32 s13, $0x7;
	s14 =	smul.u32 $0xA000, s31  }
0x138: {  	s13 =	sand.u32 $0x380, s13  }
0x139: {  	s13 =	sor.u32 s13, s14  }
0x13a: {  	s13 =	sshrl.u32 s13, $0x3  }
0x13b: {  	s15 =	simm.s32 $0x80;
	s13 =	sadd.s32 s2, s13  }
0x13c: {  	s16 =	simm.s32 $0xA680;
	s14 =	simm.s32 $0xA280;
	s17 =	sadd.s32 $0x0, s13  }
.LBB2_26:
0x13d: {  	[tilespmem:s14], [sflag:$0x1] =	stream.linear.gather [hbm4b:s17+s3], $0x80, $0x38;
	[tilespmem:$0x15480] =	vst v63  }
0x13e: {  	s17 =	smov.u32 s15;
	s14 =	smov.u32 s16;
	p1 =	sne.s32 s15, $0x1380  }
.Ltmp21:
0x13f: {  	s15 =	sadd.s32 $0x80, s15;
	(pc) =	sbr.rel @p1 .LBB2_26-.Ltmp21, $2  }
0x140: {  	_ =	sdelay $0x2  }
0x141: {  	s16 =	sadd.s32 $0x400, s16;
	s17 =	sadd.s32 s17, s13  }
0x142: {  	(v2sf) =	vpush v1, $0xD;
	_ =	sdelay $0xd  }
0x143: {  	[tilespmem:s14], [sflag:$0x1] =	stream.linear.gather [hbm4b:s17+s3], $0x80, $0x38;
	[tilespmem:$0x15480] =	vst v63  }
0x144: {  	s13 =	spop (v2sf)  }
0x145: {  	s31 =	sshrl.u32 s13, $0x3  }
0x146: {  	s13 =	sshll.u32 s13, $0x7;
	s14 =	smul.u32 $0xA000, s31  }
0x147: {  	s13 =	sand.u32 $0x380, s13  }
0x148: {  	s13 =	sor.u32 s13, s14  }
0x149: {  	s13 =	sshrl.u32 s13, $0x3  }
0x14a: {  	s15 =	simm.s32 $0x80;
	s13 =	sadd.s32 s2, s13  }
0x14b: {  	s16 =	simm.s32 $0xA700;
	s14 =	simm.s32 $0xA300;
	s17 =	sadd.s32 $0x0, s13  }
.LBB2_28:
0x14c: {  	[tilespmem:s14], [sflag:$0x1] =	stream.linear.gather [hbm4b:s17+s3], $0x80, $0x38;
	[tilespmem:$0x15480] =	vst v63  }
0x14d: {  	s17 =	smov.u32 s15;
	s14 =	smov.u32 s16;
	p1 =	sne.s32 s15, $0x1380  }
.Ltmp22:
0x14e: {  	s15 =	sadd.s32 $0x80, s15;
	(pc) =	sbr.rel @p1 .LBB2_28-.Ltmp22, $2  }
0x14f: {  	_ =	sdelay $0x2  }
0x150: {  	s16 =	sadd.s32 $0x400, s16;
	s17 =	sadd.s32 s17, s13  }
0x151: {  	(v2sf) =	vpush v1, $0xE;
	_ =	sdelay $0xd  }
0x152: {  	[tilespmem:s14], [sflag:$0x1] =	stream.linear.gather [hbm4b:s17+s3], $0x80, $0x38;
	[tilespmem:$0x15480] =	vst v63  }
0x153: {  	s13 =	spop (v2sf)  }
0x154: {  	s31 =	sshrl.u32 s13, $0x3  }
0x155: {  	s13 =	sshll.u32 s13, $0x7;
	s14 =	smul.u32 $0xA000, s31  }
0x156: {  	s13 =	sand.u32 $0x380, s13  }
0x157: {  	s13 =	sor.u32 s13, s14  }
0x158: {  	s13 =	sshrl.u32 s13, $0x3  }
0x159: {  	s15 =	simm.s32 $0x80;
	s13 =	sadd.s32 s2, s13  }
0x15a: {  	s16 =	simm.s32 $0xA780;
	s14 =	simm.s32 $0xA380;
	s17 =	sadd.s32 $0x0, s13  }
.LBB2_30:
0x15b: {  	[tilespmem:s14], [sflag:$0x1] =	stream.linear.gather [hbm4b:s17+s3], $0x80, $0x38;
	[tilespmem:$0x15480] =	vst v63  }
0x15c: {  	s17 =	smov.u32 s15;
	s14 =	smov.u32 s16;
	p1 =	sne.s32 s15, $0x1380  }
.Ltmp23:
0x15d: {  	s15 =	sadd.s32 $0x80, s15;
	(pc) =	sbr.rel @p1 .LBB2_30-.Ltmp23, $2  }
0x15e: {  	_ =	sdelay $0x2  }
0x15f: {  	s16 =	sadd.s32 $0x400, s16;
	s17 =	sadd.s32 s17, s13  }
0x160: {  	(v2sf) =	vpush v1, $0xF;
	_ =	sdelay $0xd  }
0x161: {  	[tilespmem:s14], [sflag:$0x1] =	stream.linear.gather [hbm4b:s17+s3], $0x80, $0x38;
	[tilespmem:$0x15480] =	vst v63  }
0x162: {  	s13 =	spop (v2sf)  }
0x163: {  	s31 =	sshrl.u32 s13, $0x3  }
0x164: {  	s13 =	sshll.u32 s13, $0x7;
	s14 =	smul.u32 $0xA000, s31  }
0x165: {  	s13 =	sand.u32 $0x380, s13  }
0x166: {  	s13 =	sor.u32 s13, s14  }
0x167: {  	s13 =	sshrl.u32 s13, $0x3  }
0x168: {  	s15 =	simm.s32 $0x80;
	s13 =	sadd.s32 s2, s13  }
0x169: {  	s16 =	simm.s32 $0xA800;
	s14 =	simm.s32 $0xA400;
	s17 =	sadd.s32 $0x0, s13  }
.LBB2_32:
0x16a: {  	[tilespmem:s14], [sflag:$0x1] =	stream.linear.gather [hbm4b:s17+s3], $0x80, $0x38;
	[tilespmem:$0x15480] =	vst v63  }
0x16b: {  	s17 =	smov.u32 s15;
	s14 =	smov.u32 s16;
	p1 =	sne.s32 s15, $0x1380  }
.Ltmp24:
0x16c: {  	s15 =	sadd.s32 $0x80, s15;
	(pc) =	sbr.rel @p1 .LBB2_32-.Ltmp24, $2  }
0x16d: {  	_ =	sdelay $0x2  }
0x16e: {  	s16 =	sadd.s32 $0x400, s16;
	s17 =	sadd.s32 s17, s13  }
0x16f: {  	[tilespmem:s14], [sflag:$0x1] =	stream.linear.gather [hbm4b:s17+s3], $0x80, $0x38;
	[tilespmem:$0x15480] =	vst v63  }
0x170: {  	_ =	swait.ge [sflag:s8], $0x1400  }
0x171: {  	[sflag:s8] =	ssyncset.done $0x0  }
0x172: {  	[sflag:s8] =	ssyncadd.s32 $0xFFFFEC00  }
0x173: {  	_ =	swait.ge [sflag:s8], $0x1400  }
0x174: {  	[sflag:s8] =	ssyncset.done $0x0  }
0x175: {  	[sflag:s8] =	ssyncadd.s32 $0xFFFFEC00  }
0x176: {  	_ =	swait.ge [sflag:s8], $0x1400  }
0x177: {  	[sflag:s8] =	ssyncset.done $0x0  }
0x178: {  	[sflag:s8] =	ssyncadd.s32 $0xFFFFEC00  }
0x179: {  	_ =	swait.ge [sflag:s8], $0x1400  }
0x17a: {  	[sflag:s8] =	ssyncset.done $0x0  }
0x17b: {  	[sflag:s8] =	ssyncadd.s32 $0xFFFFEC00  }
0x17c: {  	_ =	swait.ge [sflag:s8], $0x1400  }
0x17d: {  	[sflag:s8] =	ssyncset.done $0x0  }
0x17e: {  	[sflag:s8] =	ssyncadd.s32 $0xFFFFEC00  }
0x17f: {  	_ =	swait.ge [sflag:s8], $0x1400  }
0x180: {  	[sflag:s8] =	ssyncset.done $0x0  }
0x181: {  	[sflag:s8] =	ssyncadd.s32 $0xFFFFEC00  }
0x182: {  	_ =	swait.ge [sflag:s8], $0x1400  }
0x183: {  	[sflag:s8] =	ssyncset.done $0x0  }
0x184: {  	[sflag:s8] =	ssyncadd.s32 $0xFFFFEC00  }
0x185: {  	_ =	swait.ge [sflag:s8], $0x1400  }
0x186: {  	[sflag:s8] =	ssyncset.done $0x0  }
0x187: {  	[sflag:s8] =	ssyncadd.s32 $0xFFFFEC00  }
0x188: {  	_ =	swait.ge [sflag:s8], $0x1400  }
0x189: {  	[sflag:s8] =	ssyncset.done $0x0  }
0x18a: {  	[sflag:s8] =	ssyncadd.s32 $0xFFFFEC00  }
0x18b: {  	_ =	swait.ge [sflag:s8], $0x1400  }
0x18c: {  	[sflag:s8] =	ssyncset.done $0x0  }
0x18d: {  	[sflag:s8] =	ssyncadd.s32 $0xFFFFEC00  }
0x18e: {  	_ =	swait.ge [sflag:s8], $0x1400  }
0x18f: {  	[sflag:s8] =	ssyncset.done $0x0  }
0x190: {  	[sflag:s8] =	ssyncadd.s32 $0xFFFFEC00  }
0x191: {  	_ =	swait.ge [sflag:s8], $0x1400  }
0x192: {  	[sflag:s8] =	ssyncset.done $0x0  }
0x193: {  	[sflag:s8] =	ssyncadd.s32 $0xFFFFEC00  }
0x194: {  	_ =	swait.ge [sflag:s8], $0x1400  }
0x195: {  	[sflag:s8] =	ssyncset.done $0x0  }
0x196: {  	[sflag:s8] =	ssyncadd.s32 $0xFFFFEC00  }
0x197: {  	_ =	swait.ge [sflag:s8], $0x1400  }
0x198: {  	[sflag:s8] =	ssyncset.done $0x0  }
0x199: {  	[sflag:s8] =	ssyncadd.s32 $0xFFFFEC00  }
0x19a: {  	_ =	swait.ge [sflag:s8], $0x1400  }
0x19b: {  	[sflag:s8] =	ssyncset.done $0x0  }
0x19c: {  	[sflag:s8] =	ssyncadd.s32 $0xFFFFEC00  }
0x19d: {  	s13 =	simm.s32 $0x0;
	_ =	swait.ge [sflag:s8], $0x1400  }
0x19e: {  	s30 =	sand.u32 $0x70, s13;
	s13 =	sand.u32 $0xFC00, s13;
	[sflag:s8] =	ssyncset.done $0x0  }
0x19f: {  	s13 =	sor.u32 s30, s13;
	[sflag:s8] =	ssyncadd.s32 $0xFFFFEC00  }
0x1a0: {  	v1 =	vld [tilespmem:s13+$0x100]  }
0x1a1: {  	v2 =	vld [tilespmem:s13+$0x80];
	_ =	sdelay $0x1  }
0x1a2: {  	v3 =	vld [tilespmem:s13+$0x180];
	_ =	sdelay $0x1  }
0x1a3: {  	v4 =	vld [tilespmem:s13+$0x200]  }
0x1a4: {  	v1 =	vadd.f32 v1, v2  }
0x1a5: {  	v2 =	vld [tilespmem:s13+$0x280]  }
0x1a6: {  	v1 =	vadd.f32 v3, v1  }
0x1a7: {  	v3 =	vld [tilespmem:s13+$0x300]  }
0x1a8: {  	v1 =	vadd.f32 v4, v1  }
0x1a9: {  	v60 =	vld [tilespmem:s13+$0x380]  }
0x1aa: {  	v1 =	vadd.f32 v2, v1  }
0x1ab: {  	v2 =	vld [tilespmem:s13+$0x400]  }
0x1ac: {  	v1 =	vadd.f32 v3, v1  }
0x1ad: {  	v3 =	vld [tilespmem:s13+$0xA080]  }
0x1ae: {  	v1 =	vadd.f32 v60, v1  }
0x1af: {  	v61 =	vld [tilespmem:s13+$0xA100]  }
0x1b0: {  	v1 =	vadd.f32 v2, v1  }
0x1b1: {  	v2 =	vld [tilespmem:s13+$0xA180]  }
0x1b2: {  	v1 =	vadd.f32 v3, v1  }
0x1b3: {  	v3 =	vld [tilespmem:s13+$0xA200]  }
0x1b4: {  	v1 =	vadd.f32 v61, v1  }
0x1b5: {  	v62 =	vld [tilespmem:s13+$0xA280]  }
0x1b6: {  	v1 =	vadd.f32 v2, v1  }
0x1b7: {  	v2 =	vld [tilespmem:s13+$0xA300]  }
0x1b8: {  	v1 =	vadd.f32 v3, v1  }
0x1b9: {  	v3 =	vld [tilespmem:s13+$0xA380]  }
0x1ba: {  	v1 =	vadd.f32 v62, v1  }
0x1bb: {  	v63 =	vld [tilespmem:s13+$0xA400]  }
0x1bc: {  	v1 =	vadd.f32 v2, v1;
	_ =	sdelay $0x1  }
0x1bd: {  	v1 =	vadd.f32 v3, v1;
	_ =	sdelay $0x1  }
0x1be: {  	s31 =	simm.s32 $0x10;
	s15 =	simm.s32 $0x80;
	v1 =	vadd.f32 v63, v1  }
0x1bf: {  	s14 =	sand.u32 $0x70, s31;
	s16 =	sand.u32 $0xFC00, s15;
	s13 =	simm.s32 $0x14080  }
0x1c0: {  	s14 =	sor.u32 s14, s16;
	s16 =	simm.s32 $0x20;
	[tilespmem:s13+$0x0] =	vst v1  }
.LBB2_34:
0x1c1: {  	p1 =	sne.s32 s16, $0x1370;
	v1 =	vld [tilespmem:s14+$0x100]  }
0x1c2: {  	v2 =	vld [tilespmem:s14+$0x80];
	_ =	sdelay $0x1  }
0x1c3: {  	v3 =	vld [tilespmem:s14+$0x180];
	_ =	sdelay $0x1  }
0x1c4: {  	v4 =	vld [tilespmem:s14+$0x200]  }
0x1c5: {  	v1 =	vadd.f32 v1, v2  }
0x1c6: {  	v2 =	vld [tilespmem:s14+$0x280]  }
0x1c7: {  	v1 =	vadd.f32 v3, v1  }
0x1c8: {  	v3 =	vld [tilespmem:s14+$0x300]  }
0x1c9: {  	v1 =	vadd.f32 v4, v1  }
0x1ca: {  	v4 =	vld [tilespmem:s14+$0x380]  }
0x1cb: {  	v1 =	vadd.f32 v2, v1  }
0x1cc: {  	v2 =	vld [tilespmem:s14+$0x400]  }
0x1cd: {  	v1 =	vadd.f32 v3, v1  }
0x1ce: {  	v3 =	vld [tilespmem:s14+$0xA080]  }
0x1cf: {  	v1 =	vadd.f32 v4, v1  }
0x1d0: {  	v4 =	vld [tilespmem:s14+$0xA100]  }
0x1d1: {  	v1 =	vadd.f32 v2, v1  }
0x1d2: {  	v2 =	vld [tilespmem:s14+$0xA180]  }
0x1d3: {  	v1 =	vadd.f32 v3, v1  }
0x1d4: {  	v3 =	vld [tilespmem:s14+$0xA200]  }
0x1d5: {  	v1 =	vadd.f32 v4, v1  }
0x1d6: {  	v4 =	vld [tilespmem:s14+$0xA280]  }
0x1d7: {  	v1 =	vadd.f32 v2, v1  }
0x1d8: {  	v2 =	vld [tilespmem:s14+$0xA300]  }
0x1d9: {  	v1 =	vadd.f32 v3, v1  }
0x1da: {  	v3 =	vld [tilespmem:s14+$0xA380]  }
0x1db: {  	v1 =	vadd.f32 v4, v1  }
0x1dc: {  	v4 =	vld [tilespmem:s14+$0xA400]  }
0x1dd: {  	v1 =	vadd.f32 v2, v1;
	_ =	sdelay $0x1  }
.Ltmp25:
0x1de: {  	v1 =	vadd.f32 v3, v1;
	(pc) =	sbr.rel @p1 .LBB2_34-.Ltmp25, $4  }
0x1df: {  	_ = 	snop  }
0x1e0: {  	s15 =	sadd.s32 $0x80, s15;
	v1 =	vadd.f32 v4, v1  }
0x1e1: {  	s13 =	sadd.s32 $0x10, s13;
	s17 =	sand.u32 $0xFC00, s15;
	s14 =	sand.u32 $0x70, s16  }
0x1e2: {  	s16 =	sadd.s32 $0x10, s16;
	s14 =	sor.u32 s14, s17;
	[tilespmem:s13+$0x0] =	vst v1  }
0x1e3: {  	v1 =	vld [tilespmem:s14+$0x100]  }
0x1e4: {  	v2 =	vld [tilespmem:s14+$0x80];
	_ =	sdelay $0x1  }
0x1e5: {  	v3 =	vld [tilespmem:s14+$0x180];
	_ =	sdelay $0x1  }
0x1e6: {  	v4 =	vld [tilespmem:s14+$0x200]  }
0x1e7: {  	v1 =	vadd.f32 v1, v2  }
0x1e8: {  	v2 =	vld [tilespmem:s14+$0x280]  }
0x1e9: {  	v1 =	vadd.f32 v3, v1  }
0x1ea: {  	v3 =	vld [tilespmem:s14+$0x300]  }
0x1eb: {  	v1 =	vadd.f32 v4, v1  }
0x1ec: {  	v55 =	vld [tilespmem:s14+$0x380]  }
0x1ed: {  	v1 =	vadd.f32 v2, v1  }
0x1ee: {  	v2 =	vld [tilespmem:s14+$0x400]  }
0x1ef: {  	v1 =	vadd.f32 v3, v1  }
0x1f0: {  	v3 =	vld [tilespmem:s14+$0xA080]  }
0x1f1: {  	v1 =	vadd.f32 v55, v1  }
0x1f2: {  	v56 =	vld [tilespmem:s14+$0xA100]  }
0x1f3: {  	v1 =	vadd.f32 v2, v1  }
0x1f4: {  	v2 =	vld [tilespmem:s14+$0xA180]  }
0x1f5: {  	v1 =	vadd.f32 v3, v1  }
0x1f6: {  	v3 =	vld [tilespmem:s14+$0xA200]  }
0x1f7: {  	v1 =	vadd.f32 v56, v1  }
0x1f8: {  	v57 =	vld [tilespmem:s14+$0xA280]  }
0x1f9: {  	v1 =	vadd.f32 v2, v1  }
0x1fa: {  	v2 =	vld [tilespmem:s14+$0xA300]  }
0x1fb: {  	v1 =	vadd.f32 v3, v1  }
0x1fc: {  	v3 =	vld [tilespmem:s14+$0xA380]  }
0x1fd: {  	v1 =	vadd.f32 v57, v1  }
0x1fe: {  	v58 =	vld [tilespmem:s14+$0xA400]  }
0x1ff: {  	v1 =	vadd.f32 v2, v1;
	_ =	sdelay $0x1  }
0x200: {  	v1 =	vadd.f32 v3, v1;
	_ =	sdelay $0x1  }
0x201: {  	v1 =	vadd.f32 v58, v1  }
0x202: {  	s13 =	sadd.s32 $0x10, s13  }
0x203: {  	[tilespmem:s13+$0x0] =	vst v1  }
0x204: {  	v1 =	vld.msk [tilespmem:$0x9C80], $0xff  }
0x205: {  	v2 =	vld.msk [tilespmem:$0x9D00], $0xff;
	_ =	sdelay $0x1  }
0x206: {  	v3 =	vld.msk [tilespmem:$0x9D80], $0xff;
	_ =	sdelay $0x1  }
0x207: {  	v59 =	vld.msk [tilespmem:$0x9E00], $0xff  }
0x208: {  	v1 =	vadd.f32 v2, v1  }
0x209: {  	v2 =	vld.msk [tilespmem:$0x9E80], $0xff  }
0x20a: {  	v1 =	vadd.f32 v3, v1  }
0x20b: {  	v3 =	vld.msk [tilespmem:$0x9F00], $0xff  }
0x20c: {  	v1 =	vadd.f32 v59, v1  }
0x20d: {  	v60 =	vld.msk [tilespmem:$0x9F80], $0xff  }
0x20e: {  	v1 =	vadd.f32 v2, v1  }
0x20f: {  	v2 =	vld.msk [tilespmem:$0xA000], $0xff  }
0x210: {  	v1 =	vadd.f32 v3, v1  }
0x211: {  	v3 =	vld.msk [tilespmem:$0x13C80], $0xff  }
0x212: {  	v1 =	vadd.f32 v60, v1  }
0x213: {  	v61 =	vld.msk [tilespmem:$0x13D00], $0xff  }
0x214: {  	v1 =	vadd.f32 v2, v1  }
0x215: {  	v2 =	vld.msk [tilespmem:$0x13D80], $0xff  }
0x216: {  	v1 =	vadd.f32 v3, v1  }
0x217: {  	v3 =	vld.msk [tilespmem:$0x13E00], $0xff  }
0x218: {  	v1 =	vadd.f32 v61, v1  }
0x219: {  	v62 =	vld.msk [tilespmem:$0x13E80], $0xff  }
0x21a: {  	v1 =	vadd.f32 v2, v1  }
0x21b: {  	v2 =	vld.msk [tilespmem:$0x13F00], $0xff  }
0x21c: {  	v1 =	vadd.f32 v3, v1  }
0x21d: {  	v3 =	vld.msk [tilespmem:$0x13F80], $0xff  }
0x21e: {  	v1 =	vadd.f32 v62, v1  }
0x21f: {  	v63 =	vld.msk [tilespmem:$0x14000], $0xff  }
.Ltmp26:
0x220: {  	v1 =	vadd.f32 v2, v1;
	(pc) =	sbr.rel .LBB2_46-.Ltmp26, $3  }
0x221: {  	_ = 	snop  }
0x222: {  	v1 =	vadd.f32 v3, v1;
	_ =	sdelay $0x1  }
0x223: {  	v1 =	vadd.f32 v63, v1  }
.LBB2_47:
0x224: {  	_ =	sfence.sel $0x180000  }
0x225: {  	[bflag:$0x0] =	sbarrier.arrive $0xFFFF  }
0x226: {  	p0 =	sne.s32 s1, $0x0;
	_ =	strace $0x90000047  }
0x227: {  	s0 =	sadd.s32 @!p0 $0x100000, s0;
	[bflag:$0x2] =	sbarrier.arrive $0xFFFF  }
0x228: {  	[sflag:s0] =	ssyncadd.tile.s32 @!p0 $0x1;
	_ =	shalt  }
.Lfunc_end2:
_tile_overlayer_lowered:
.L_overlay_start_2:
0x229: {  	(tag) =	ssettag $0x2  }
0x22a: {  	s0 =	rddreg [dreg:$0x0];
	s2 =	stileid.u32  }
0x22b: {  	s1 =	rddreg [dreg:$0x1];
	p0 =	sne.s32 s2, $0x0  }
0x22c: {  	s3 =	rddreg [dreg:$0x2];
	[bflag:$0x3] =	sbarrier.arrive $0xFFFF;
	s2 =	simm.s32 @!p0 $0x1C02  }
0x22d: {  	[timem:s3], [sflag:s2] =	dma.local @!p0 [hbm:s0], s1  }
0x22e: {  	s0 =	simm.s32 @!p0 $0x2  }
0x22f: {  	_ =	swait.ge @!p0 [sflag:s0], s1  }
0x230: {  	s1 =	ssub.s32 @!p0 $0x0, s1;
	[sflag:s0] =	ssyncset.done @!p0 $0x0  }
0x231: {  	[sflag:s0] =	ssyncadd.s32 @!p0 s1  }
0x232: {  	[bflag:$0x3] =	sbarrier.arrive $0xFFFF  }
0x233: {  	_ =	shalt  }

</sc_bundles>
